<compile_context>
chip_gen: v7x
topology: tpu7x:2x2x1
jax: 0.10.2.dev20260603
libtpu: 0.0.44.dev20260713+nightly
codegen_flags: <defaults>
</compile_context>

<pallas_src>
import functools

import jax
import jax.numpy as jnp
from jax import lax
from jax.experimental import pallas as pl
from jax.experimental.pallas import tpu as pltpu
from jax.experimental.pallas import tpu_sc as plsc

N_ENT = 100000
N_LOC = 10000
E = 320000
D = 128
NREL_PAD = 408
N_PAD = 10240
EPS = 1e-5

NC = 2
NS = 16
NW = NC * NS
EB = 64
E_PER_W = 10240
E_PAD = NW * E_PER_W
NBLK = E_PER_W // EB
NPAIR = NBLK // 2
NACC = 10240
ROWS_PER_TILE = NACC // NS


def _lstm_body(que, wih, whh, b, c_out):
    def step(i, hc):
        h, c = hc
        xt = que[pl.ds(i, 1), :]
        gates = (
            lax.dot_general(xt, wih[...], (((1,), (1,)), ((), ())),
                            preferred_element_type=jnp.float32)
            + lax.dot_general(h, whh[...], (((1,), (1,)), ((), ())),
                              preferred_element_type=jnp.float32)
            + b[...]
        )
        ig = jax.nn.sigmoid(gates[:, 0:D])
        fg = jax.nn.sigmoid(gates[:, D:2 * D])
        gg = jnp.tanh(gates[:, 2 * D:3 * D])
        og = jax.nn.sigmoid(gates[:, 3 * D:4 * D])
        c2 = fg * c + ig * gg
        h2 = og * jnp.tanh(c2)
        return (h2, c2)

    zero = jnp.zeros((1, D), jnp.float32)
    _, c = lax.fori_loop(0, 16, step, (zero, zero))
    c_out[...] = c


def _run_lstm(que_embeds, W_ih, W_hh, b):
    return pl.pallas_call(
        _lstm_body,
        out_shape=jax.ShapeDtypeStruct((1, D), jnp.float32),
    )(que_embeds, W_ih, W_hh, b)


def _rel_body(rel_init, mess_W, mess_b, atten_w, c, z_out, t_out):
    w2 = mess_W[:, D:2 * D]
    rw = lax.dot_general(rel_init[...], w2, (((1,), (1,)), ((), ())),
                         preferred_element_type=jnp.float32)
    b = mess_b[...]
    z1 = rw + b
    z2 = -rw + b
    ztail = jnp.broadcast_to(b, (8, D))
    z = jnp.concatenate([z1, z2, ztail], axis=0)
    z_out[...] = z
    w_m = atten_w[:, 0:D]
    w_q = atten_w[:, D:2 * D]
    qcw = jnp.sum(c[...] * w_q)
    t_out[...] = jnp.sum(z * w_m, axis=1, keepdims=True) + qcw


def _run_rel(rel_init, mess_W, mess_b, atten_w, c):
    return pl.pallas_call(
        _rel_body,
        out_shape=[
            jax.ShapeDtypeStruct((NREL_PAD, D), jnp.float32),
            jax.ShapeDtypeStruct((NREL_PAD, 1), jnp.float32),
        ],
    )(rel_init, mess_W, mess_b, atten_w, c)


def _gather_rows_body(table_hbm, idx_hbm, out_hbm, idx_v, rows_v, sem):
    b_per_w = N_PAD // NW
    wid = lax.axis_index("c") * NS + lax.axis_index("s")
    base = wid * b_per_w
    pltpu.sync_copy(idx_hbm.at[pl.ds(base, b_per_w)], idx_v)
    pltpu.async_copy(table_hbm.at[idx_v], rows_v, sem).wait()
    pltpu.sync_copy(rows_v, out_hbm.at[pl.ds(base, b_per_w)])


def _run_gather_rows(table, idx_pad):
    b_per_w = N_PAD // NW
    mesh = plsc.VectorSubcoreMesh(core_axis_name="c", subcore_axis_name="s",
                                  num_cores=NC, num_subcores=NS)
    f = pl.kernel(
        _gather_rows_body,
        out_type=jax.ShapeDtypeStruct((N_PAD, D), jnp.float32),
        mesh=mesh,
        compiler_params=pltpu.CompilerParams(needs_layout_passes=False),
        scratch_types=[
            pltpu.VMEM((b_per_w,), jnp.int32),
            pltpu.VMEM((b_per_w, D), jnp.float32),
            pltpu.SemaphoreType.DMA,
        ],
    )
    return f(table, idx_pad)


def _node_body(xg, mess_W, atten_w, y_out, s_out):
    w1 = mess_W[:, 0:D]
    y = lax.dot_general(xg[...], w1, (((1,), (1,)), ((), ())),
                        preferred_element_type=jnp.float32)
    y_out[...] = y
    w_m = atten_w[:, 0:D]
    s_out[...] = jnp.sum(y * w_m, axis=1, keepdims=True)


def _run_node(xg, mess_W, atten_w):
    return pl.pallas_call(
        _node_body,
        out_shape=[
            jax.ShapeDtypeStruct((N_PAD, D), jnp.float32),
            jax.ShapeDtypeStruct((N_PAD, 1), jnp.float32),
        ],
    )(xg, mess_W, atten_w)


def _edge_body(src_h, dst_h, attr_h, y_h, z_h, s_h, t_h, zn_h, zd_h,
               num_o, den_o,
               s_v, t_v,
               sv0, dv0, av0, yb0, zb0, ab0,
               sv1, dv1, av1, yb1, zb1, ab1,
               num_sp, den_sp,
               si0, sy0, sz0, sn0, sd0,
               si1, sy1, sz1, sn1, sd1):
    cid = lax.axis_index("c")
    sid = lax.axis_index("s")
    wid = cid * NS + sid

    pltpu.sync_copy(s_h, s_v)
    pltpu.sync_copy(t_h, t_v)
    pltpu.sync_copy(zn_h.at[pl.ds(sid * ROWS_PER_TILE, ROWS_PER_TILE)],
                    num_sp.at[pl.ds(sid * ROWS_PER_TILE, ROWS_PER_TILE)])

    @pl.when(sid == 0)
    def _():
        pltpu.sync_copy(zd_h, den_sp)

    plsc.subcore_barrier()

    base_e = wid * E_PER_W
    A = (sv0, dv0, av0, yb0, zb0, ab0, si0, sy0, sz0, sn0, sd0)
    B = (sv1, dv1, av1, yb1, zb1, ab1, si1, sy1, sz1, sn1, sd1)

    def issue_idx(g, S):
        off = base_e + g * EB
        pltpu.async_copy(src_h.at[pl.ds(off, EB)], S[0], S[6])
        pltpu.async_copy(dst_h.at[pl.ds(off, EB)], S[1], S[6])
        pltpu.async_copy(attr_h.at[pl.ds(off, EB)], S[2], S[6])

    def wait_idx(S):
        for r in (S[0], S[1], S[2]):
            pltpu.make_async_copy(src_h.at[pl.ds(0, EB)], r, S[6]).wait()

    def issue_rows(S):
        pltpu.async_copy(y_h.at[S[0]], S[3], S[7])
        pltpu.async_copy(z_h.at[S[2]], S[4], S[8])

    def wait_rows(S):
        pltpu.make_async_copy(y_h.at[S[0]], S[3], S[7]).wait()
        pltpu.make_async_copy(z_h.at[S[2]], S[4], S[8]).wait()

    def compute_a(S):
        def agrp(j, _):
            svv = S[0][pl.ds(j * 16, 16)]
            avv = S[2][pl.ds(j * 16, 16)]
            u = plsc.load_gather(s_v, [svv]) + plsc.load_gather(t_v, [avv])
            au = jnp.abs(u)
            ex = jnp.exp(au * 2.0)
            th = 1.0 - 2.0 / (ex + 1.0)
            th = jnp.where(u < 0.0, -th, th)
            S[5][pl.ds(j * 16, 16)] = jnp.exp(th)
            return 0

        lax.fori_loop(0, EB // 16, agrp, 0, unroll=True)

    def scale(S):
        def edge(i, _):
            ab = plsc.load_gather(
                S[5], [jnp.broadcast_to(i, (16,)).astype(jnp.int32)])
            for cchunk in range(D // 16):
                sl = pl.ds(cchunk * 16, 16)
                S[3][i, sl] = ab * (S[3][i, sl] + S[4][i, sl])
            return 0

        lax.fori_loop(0, EB, edge, 0)

    def issue_scatter(S):
        pltpu.async_copy(S[3], num_sp.at[S[1]], S[9], add=True)
        pltpu.async_copy(S[5], den_sp.at[S[1]], S[10], add=True)

    def wait_scatter(S):
        pltpu.make_async_copy(S[3], num_sp.at[S[1]], S[9]).wait()
        pltpu.make_async_copy(S[5], den_sp.at[S[1]], S[10]).wait()

    issue_idx(0, A)
    wait_idx(A)
    issue_rows(A)

    def block(g, P, Q):
        compute_a(P)

        @pl.when(g >= 1)
        def _():
            wait_scatter(Q)

        @pl.when(g + 1 < NBLK)
        def _():
            issue_idx(g + 1, Q)

        wait_rows(P)

        @pl.when(g + 1 < NBLK)
        def _():
            wait_idx(Q)
            issue_rows(Q)

        scale(P)
        issue_scatter(P)

    def pairf(h, _):
        block(2 * h, A, B)
        block(2 * h + 1, B, A)
        return 0

    lax.fori_loop(0, NPAIR, pairf, 0)
    wait_scatter(B)

    plsc.subcore_barrier()

    pltpu.sync_copy(num_sp.at[pl.ds(sid * ROWS_PER_TILE, ROWS_PER_TILE)],
                    num_o.at[cid, pl.ds(sid * ROWS_PER_TILE, ROWS_PER_TILE)])

    @pl.when(sid == 0)
    def _():
        pltpu.sync_copy(den_sp, den_o.at[cid])


def _run_edges(src, dst, attr, y, z, s, t):
    mesh = plsc.VectorSubcoreMesh(core_axis_name="c", subcore_axis_name="s",
                                  num_cores=NC, num_subcores=NS)
    zn = jnp.zeros((NACC, D), jnp.float32)
    zd = jnp.zeros((NACC,), jnp.float32)
    f = pl.kernel(
        _edge_body,
        out_type=[
            jax.ShapeDtypeStruct((NC, NACC, D), jnp.float32),
            jax.ShapeDtypeStruct((NC, NACC), jnp.float32),
        ],
        mesh=mesh,
        compiler_params=pltpu.CompilerParams(needs_layout_passes=False),
        scratch_types=(
            [
                pltpu.VMEM((N_PAD,), jnp.float32),
                pltpu.VMEM((NREL_PAD,), jnp.float32),
            ]
            + 2 * [
                pltpu.VMEM((EB,), jnp.int32),
                pltpu.VMEM((EB,), jnp.int32),
                pltpu.VMEM((EB,), jnp.int32),
                pltpu.VMEM((EB, D), jnp.float32),
                pltpu.VMEM((EB, D), jnp.float32),
                pltpu.VMEM((EB,), jnp.float32),
            ]
            + [
                pltpu.VMEM_SHARED((NACC, D), jnp.float32),
                pltpu.VMEM_SHARED((NACC,), jnp.float32),
            ]
            + 10 * [pltpu.SemaphoreType.DMA]
        ),
    )
    return f(src, dst, attr, y, z, s, t, zn, zd)


def _final_body(num_p, den_p, c, gamma, beta, out_ref):
    num = (num_p[0] + num_p[1])[0:N_LOC]
    den = (den_p[0] + den_p[1])[0:N_LOC]
    pos = den > 0.0
    x = jnp.where(pos, num / jnp.where(pos, den, 1.0), 0.0)
    mu = jnp.mean(x, axis=0, keepdims=True)
    var = jnp.mean((x - mu) ** 2, axis=0, keepdims=True)
    x = gamma[...] * (x - mu) / jnp.sqrt(var + EPS) + beta[...]
    x = jnp.tanh(x)
    diff = c[...] - x
    dsq = jnp.sum(diff * diff, axis=1, keepdims=True)
    out_ref[...] = jax.nn.sigmoid(jnp.sqrt(dsq))


def _run_final(num_p, den_p, c, gamma, beta):
    return pl.pallas_call(
        _final_body,
        out_shape=jax.ShapeDtypeStruct((N_LOC, 1), jnp.float32),
    )(num_p, den_p, c, gamma, beta)


def kernel(que_embeds, x_idx, edge_index, edge_attr, edge_type,
           ent_table, rel_init, W_ih, W_hh, b_ih, b_hh,
           mess_W, mess_b, atten_w, rel_W, rel_b,
           e_gamma, e_beta, r_gamma, r_beta):
    b = (b_ih + b_hh).reshape(1, 4 * D)
    c = _run_lstm(que_embeds, W_ih, W_hh, b)
    z, t = _run_rel(rel_init, mess_W, mess_b.reshape(1, D), atten_w, c)
    idx_pad = jnp.concatenate(
        [x_idx.astype(jnp.int32), jnp.zeros((N_PAD - N_LOC,), jnp.int32)])
    xg = _run_gather_rows(ent_table, idx_pad)
    y, s = _run_node(xg, mess_W, atten_w)
    pad_n = E_PAD - E
    src = jnp.concatenate(
        [edge_index[0].astype(jnp.int32), jnp.zeros((pad_n,), jnp.int32)])
    dst = jnp.concatenate(
        [edge_index[1].astype(jnp.int32),
         N_LOC + (jnp.arange(pad_n, dtype=jnp.int32) % (NACC - N_LOC))])
    attr = jnp.concatenate(
        [edge_attr.astype(jnp.int32), jnp.zeros((pad_n,), jnp.int32)])
    num_p, den_p = _run_edges(src, dst, attr, y, z,
                              s.reshape(N_PAD), t.reshape(NREL_PAD))
    out = _run_final(num_p, den_p.reshape(NC, NACC, 1), c,
                     e_gamma.reshape(1, D), e_beta.reshape(1, D))
    return out.reshape(N_LOC)

# --- scband reference (transcript-rebuilt; emitter-appended) ---
"""Pipeline reference for scband-atten-model-72696616452751 (READ-ONLY COPY).

The authoritative reference and input builder live on the scoring server;
editing this copy changes nothing except your own understanding.
"""

import jax, jax.numpy as jnp
import numpy as np

N_ENT = 100000
N_LOC = 10000
E = 320000
D = 128
R = 200
NREL = 2 * R + 1
L = 16
INV_REL = -1.0
EPS = 1e-5


def _batchnorm_train(x, gamma, beta):
    mu = jnp.mean(x, axis=0)
    var = jnp.var(x, axis=0)
    return gamma * (x - mu) / jnp.sqrt(var + EPS) + beta


def _lstm(xseq, W_ih, W_hh, b_ih, b_hh):
    H = W_hh.shape[1]
    def step(carry, xt):
        h, c = carry
        gates = xt @ W_ih.T + h @ W_hh.T + b_ih + b_hh
        i, f, g, o = jnp.split(gates, 4, axis=-1)
        i = jax.nn.sigmoid(i)
        f = jax.nn.sigmoid(f)
        g = jnp.tanh(g)
        o = jax.nn.sigmoid(o)
        c = f * c + i * g
        h = o * jnp.tanh(c)
        return (h, c), h
    h0 = jnp.zeros((H,), xseq.dtype)
    c0 = jnp.zeros((H,), xseq.dtype)
    (h, c), hs = jax.lax.scan(step, (h0, c0), xseq)
    return hs, c


def setup_inputs(seed: int = 0) -> dict:
    key = jax.random.key(seed)
    ks = jax.random.split(key, 20)
    inp = {}
    inp['que_embeds'] = jax.random.normal(ks[0], (L, D), jnp.float32)
    inp['x_idx'] = jax.random.randint(ks[1], (N_LOC,), 0, N_ENT, jnp.int64 if jax.config.jax_enable_x64 else jnp.int32)
    inp['edge_index'] = jax.random.randint(ks[2], (2, E), 0, N_LOC)
    inp['edge_attr'] = jax.random.randint(ks[3], (E,), 0, NREL)
    inp['edge_type'] = jax.random.randint(ks[4], (E,), 0, NREL)
    inp['ent_table'] = jax.random.normal(ks[5], (N_ENT, D), jnp.float32) * 0.1
    inp['rel_init'] = jax.random.normal(ks[6], (R, D), jnp.float32) * 0.1
    inp['W_ih'] = jax.random.normal(ks[7], (4 * D, D), jnp.float32) * 0.05
    inp['W_hh'] = jax.random.normal(ks[8], (4 * D, D), jnp.float32) * 0.05
    inp['b_ih'] = jnp.zeros((4 * D,), jnp.float32)
    inp['b_hh'] = jnp.zeros((4 * D,), jnp.float32)
    inp['mess_W'] = jax.random.normal(ks[9], (D, 2 * D), jnp.float32) * 0.05
    inp['mess_b'] = jnp.zeros((D,), jnp.float32)
    inp['atten_w'] = jax.random.normal(ks[10], (1, 2 * D), jnp.float32) * 0.05
    inp['rel_W'] = jax.random.normal(ks[11], (D, D), jnp.float32) * 0.05
    inp['rel_b'] = jnp.zeros((D,), jnp.float32)
    inp['e_gamma'] = jnp.ones((D,), jnp.float32)
    inp['e_beta'] = jnp.zeros((D,), jnp.float32)
    inp['r_gamma'] = jnp.ones((D,), jnp.float32)
    inp['r_beta'] = jnp.zeros((D,), jnp.float32)
    return inp


def reference(que_embeds, x_idx, edge_index, edge_attr, edge_type,
              ent_table, rel_init, W_ih, W_hh, b_ih, b_hh,
              mess_W, mess_b, atten_w, rel_W, rel_b,
              e_gamma, e_beta, r_gamma, r_beta):
    # build relation table: [r; r*inv_rel; zero row]
    r = jnp.concatenate([rel_init, rel_init * INV_REL], axis=0)
    r = jnp.concatenate([r, jnp.zeros((1, r.shape[1]), r.dtype)], axis=0)
    # question encoder (single layer LSTM), context = final cell state
    _, c_n = _lstm(que_embeds, W_ih, W_hh, b_ih, b_hh)
    que_context = c_n.reshape(-1)
    # gather entity init embeddings
    x = jnp.take(ent_table, x_idx, axis=0)
    # GCN layer
    src = edge_index[0, :]
    dst = edge_index[1, :]
    source_embeds = jnp.take(x, src, axis=0)
    edge_rel_embeds = jnp.take(r, edge_attr, axis=0)
    messages = jnp.concatenate([source_embeds, edge_rel_embeds], axis=1)
    messages = messages @ mess_W.T + mess_b
    qc = jnp.broadcast_to(que_context[None, :], (messages.shape[0], que_context.shape[0]))
    atten_in = jnp.concatenate([messages, qc], axis=1)
    atten_coeffs = atten_in @ atten_w[0]
    atten_coeffs = jnp.exp(jnp.tanh(atten_coeffs))
    coeffs_sum = jax.ops.segment_sum(atten_coeffs, dst, num_segments=N_LOC)
    coeffs_sum_e = jnp.take(coeffs_sum, dst, axis=0)
    weights = atten_coeffs / coeffs_sum_e
    messages = messages * weights[:, None]
    x = jax.ops.segment_sum(messages, dst, num_segments=N_LOC)
    x = _batchnorm_train(x, e_gamma, e_beta)
    x = jnp.tanh(x)
    r_out = r @ rel_W.T + rel_b
    r_out = _batchnorm_train(r_out, r_gamma, r_beta)
    r_out = jnp.tanh(r_out)
    # distance scoring
    all_dis = jnp.sqrt(jnp.sum((que_context[None, :] - x) ** 2, axis=1))
    return jax.nn.sigmoid(all_dis)

if __name__ == "__main__":
    import jax
    _d = setup_inputs()
    print(jax.jit(kernel)(*tuple(_d.values())))

</pallas_src>

<mosaic_0001>
#map = affine_map<(d0, d1) -> (0, 0)>
#map1 = affine_map<(d0, d1) -> (0)>
module attributes {stable_mosaic.version = 14 : i64} {
  func.func @_gather_rows_body(%arg0: i32, %arg1: i32, %arg2: memref<100000x128xf32, #tpu.memory_space<hbm>>, %arg3: memref<10240xi32, #tpu.memory_space<hbm>>, %arg4: memref<10240x128xf32, #tpu.memory_space<hbm>>, %arg5: memref<320xi32, #tpu.memory_space<vmem>>, %arg6: memref<320x128xf32, #tpu.memory_space<vmem>>, %arg7: memref<!tpu.dma_semaphore, #tpu.memory_space<semaphore_mem>>) attributes {dimension_semantics = [#tpu.dimension_semantics<core_parallel>, #tpu.dimension_semantics<subcore_parallel>], iteration_bounds = array<i64: 2, 16>, scalar_prefetch = 0 : i64, scratch_operands = 3 : i64, tpu.core_type = #tpu.core_type<sc_vector_subcore>, window_params = [{transform_indices = #map}, {transform_indices = #map1}, {transform_indices = #map}]} {
    %mul3A = arith.constant 16 : i32
    %mul3A_0 = arith.muli %arg0, %mul3A : i32
    %add3A = arith.addi %mul3A_0, %arg1 : i32
    %mul3A_1 = arith.constant 320 : i32
    %mul3A_2 = arith.muli %add3A, %mul3A_1 : i32
    "tpu.region"() ({
      %run_scoped3A = tpu.sem_alloc : memref<!tpu.dma_semaphore, #tpu.memory_space<semaphore_mem>>
      %dma_start3A_7 = tpu.memref_slice %arg3[%mul3A_2] : memref<10240xi32, #tpu.memory_space<hbm>> -> memref<320xi32, #tpu.memory_space<hbm>>
      %dma_start3A_8 = tpu.memref_slice %arg3[%mul3A_2] : memref<10240xi32, #tpu.memory_space<hbm>> -> memref<320xi32, #tpu.memory_space<hbm>>
      tpu.enqueue_dma source(%dma_start3A_8 : memref<320xi32, #tpu.memory_space<hbm>>) target(%arg5 : memref<320xi32, #tpu.memory_space<vmem>>) target_semaphore(%run_scoped3A : memref<!tpu.dma_semaphore, #tpu.memory_space<semaphore_mem>>)
      %dma_wait3A_9 = tpu.memref_slice %arg3[%mul3A_2] : memref<10240xi32, #tpu.memory_space<hbm>> -> memref<320xi32, #tpu.memory_space<hbm>>
      %dma_wait3A_10 = tpu.memref_slice %arg3[%mul3A_2] : memref<10240xi32, #tpu.memory_space<hbm>> -> memref<320xi32, #tpu.memory_space<hbm>>
      tpu.wait_dma2 semaphore(%run_scoped3A : memref<!tpu.dma_semaphore, #tpu.memory_space<semaphore_mem>>) src(%dma_wait3A_10 : memref<320xi32, #tpu.memory_space<hbm>>) dst(%arg5 : memref<320xi32, #tpu.memory_space<vmem>>)
      tpu.yield
    }) : () -> ()
    %dma_start3A = arith.constant 0 : i32
    %dma_start3A_3 = arith.constant 0 : i32
    %dma_start3A_4 = tpu.memref_slice %arg2[%dma_start3A, %dma_start3A_3] : memref<100000x128xf32, #tpu.memory_space<hbm>> -> memref<100000x128xf32, #tpu.memory_space<hbm>>
    tpu.enqueue_indirect_dma source(%dma_start3A_4 : memref<100000x128xf32, #tpu.memory_space<hbm>>) target(%arg6 : memref<320x128xf32, #tpu.memory_space<vmem>>) offsets(%arg5 : memref<320xi32, #tpu.memory_space<vmem>>) semaphore(%arg7 : memref<!tpu.dma_semaphore, #tpu.memory_space<semaphore_mem>>)
    %dma_wait3A = arith.constant 0 : i32
    %dma_wait3A_5 = arith.constant 0 : i32
    %dma_wait3A_6 = tpu.memref_slice %arg2[%dma_wait3A, %dma_wait3A_5] : memref<100000x128xf32, #tpu.memory_space<hbm>> -> memref<100000x128xf32, #tpu.memory_space<hbm>>
    tpu.wait_indirect_dma semaphore(%arg7 : memref<!tpu.dma_semaphore, #tpu.memory_space<semaphore_mem>>) src(%dma_wait3A_6 : memref<100000x128xf32, #tpu.memory_space<hbm>>) dst(%arg6 : memref<320x128xf32, #tpu.memory_space<vmem>>)
    "tpu.region"() ({
      %run_scoped3A = tpu.sem_alloc : memref<!tpu.dma_semaphore, #tpu.memory_space<semaphore_mem>>
      %dma_start3A_7 = arith.constant 0 : i32
      %dma_start3A_8 = tpu.memref_slice %arg4[%mul3A_2, %dma_start3A_7] : memref<10240x128xf32, #tpu.memory_space<hbm>> -> memref<320x128xf32, #tpu.memory_space<hbm>>
      %dma_start3A_9 = arith.constant 0 : i32
      %dma_start3A_10 = tpu.memref_slice %arg4[%mul3A_2, %dma_start3A_9] : memref<10240x128xf32, #tpu.memory_space<hbm>> -> memref<320x128xf32, #tpu.memory_space<hbm>>
      tpu.enqueue_dma source(%arg6 : memref<320x128xf32, #tpu.memory_space<vmem>>) target(%dma_start3A_10 : memref<320x128xf32, #tpu.memory_space<hbm>>) target_semaphore(%run_scoped3A : memref<!tpu.dma_semaphore, #tpu.memory_space<semaphore_mem>>)
      %dma_wait3A_11 = arith.constant 0 : i32
      %dma_wait3A_12 = tpu.memref_slice %arg4[%mul3A_2, %dma_wait3A_11] : memref<10240x128xf32, #tpu.memory_space<hbm>> -> memref<320x128xf32, #tpu.memory_space<hbm>>
      %dma_wait3A_13 = arith.constant 0 : i32
      %dma_wait3A_14 = tpu.memref_slice %arg4[%mul3A_2, %dma_wait3A_13] : memref<10240x128xf32, #tpu.memory_space<hbm>> -> memref<320x128xf32, #tpu.memory_space<hbm>>
      tpu.wait_dma2 semaphore(%run_scoped3A : memref<!tpu.dma_semaphore, #tpu.memory_space<semaphore_mem>>) src(%arg6 : memref<320x128xf32, #tpu.memory_space<vmem>>) dst(%dma_wait3A_14 : memref<320x128xf32, #tpu.memory_space<hbm>>)
      tpu.yield
    }) : () -> ()
    return
  }
}

#map = affine_map<(d0, d1) -> (0)>
#map1 = affine_map<(d0, d1) -> (0, 0)>
#map2 = affine_map<(d0, d1) -> (0, 0, 0)>
module attributes {stable_mosaic.version = 14 : i64} {
  func.func @_edge_body(%arg0: i32, %arg1: i32, %arg2: memref<327680xi32, #tpu.memory_space<hbm>>, %arg3: memref<327680xi32, #tpu.memory_space<hbm>>, %arg4: memref<327680xi32, #tpu.memory_space<hbm>>, %arg5: memref<10240x128xf32, #tpu.memory_space<hbm>>, %arg6: memref<408x128xf32, #tpu.memory_space<hbm>>, %arg7: memref<10240xf32, #tpu.memory_space<hbm>>, %arg8: memref<408xf32, #tpu.memory_space<hbm>>, %arg9: memref<10240x128xf32, #tpu.memory_space<hbm>>, %arg10: memref<10240xf32, #tpu.memory_space<hbm>>, %arg11: memref<2x10240x128xf32, #tpu.memory_space<hbm>>, %arg12: memref<2x10240xf32, #tpu.memory_space<hbm>>, %arg13: memref<10240xf32, #tpu.memory_space<vmem>>, %arg14: memref<408xf32, #tpu.memory_space<vmem>>, %arg15: memref<64xi32, #tpu.memory_space<vmem>>, %arg16: memref<64xi32, #tpu.memory_space<vmem>>, %arg17: memref<64xi32, #tpu.memory_space<vmem>>, %arg18: memref<64x128xf32, #tpu.memory_space<vmem>>, %arg19: memref<64x128xf32, #tpu.memory_space<vmem>>, %arg20: memref<64xf32, #tpu.memory_space<vmem>>, %arg21: memref<64xi32, #tpu.memory_space<vmem>>, %arg22: memref<64xi32, #tpu.memory_space<vmem>>, %arg23: memref<64xi32, #tpu.memory_space<vmem>>, %arg24: memref<64x128xf32, #tpu.memory_space<vmem>>, %arg25: memref<64x128xf32, #tpu.memory_space<vmem>>, %arg26: memref<64xf32, #tpu.memory_space<vmem>>, %arg27: memref<10240x128xf32, #tpu.memory_space<vmem_shared>>, %arg28: memref<10240xf32, #tpu.memory_space<vmem_shared>>, %arg29: memref<!tpu.dma_semaphore, #tpu.memory_space<semaphore_mem>>, %arg30: memref<!tpu.dma_semaphore, #tpu.memory_space<semaphore_mem>>, %arg31: memref<!tpu.dma_semaphore, #tpu.memory_space<semaphore_mem>>, %arg32: memref<!tpu.dma_semaphore, #tpu.memory_space<semaphore_mem>>, %arg33: memref<!tpu.dma_semaphore, #tpu.memory_space<semaphore_mem>>, %arg34: memref<!tpu.dma_semaphore, #tpu.memory_space<semaphore_mem>>, %arg35: memref<!tpu.dma_semaphore, #tpu.memory_space<semaphore_mem>>, %arg36: memref<!tpu.dma_semaphore, #tpu.memory_space<semaphore_mem>>, %arg37: memref<!tpu.dma_semaphore, #tpu.memory_space<semaphore_mem>>, %arg38: memref<!tpu.dma_semaphore, #tpu.memory_space<semaphore_mem>>) attributes {dimension_semantics = [#tpu.dimension_semantics<core_parallel>, #tpu.dimension_semantics<subcore_parallel>], iteration_bounds = array<i64: 2, 16>, scalar_prefetch = 0 : i64, scratch_operands = 26 : i64, tpu.core_type = #tpu.core_type<sc_vector_subcore>, window_params = [{transform_indices = #map}, {transform_indices = #map}, {transform_indices = #map}, {transform_indices = #map1}, {transform_indices = #map1}, {transform_indices = #map}, {transform_indices = #map}, {transform_indices = #map1}, {transform_indices = #map}, {transform_indices = #map2}, {transform_indices = #map1}]} {
    %mul3A = arith.constant 16 : i32
    %mul3A_0 = arith.muli %arg0, %mul3A : i32
    %add3A = arith.addi %mul3A_0, %arg1 : i32
    "tpu.region"() ({
      %run_scoped3A = tpu.sem_alloc : memref<!tpu.dma_semaphore, #tpu.memory_space<semaphore_mem>>
      tpu.enqueue_dma source(%arg7 : memref<10240xf32, #tpu.memory_space<hbm>>) target(%arg13 : memref<10240xf32, #tpu.memory_space<vmem>>) target_semaphore(%run_scoped3A : memref<!tpu.dma_semaphore, #tpu.memory_space<semaphore_mem>>)
      tpu.wait_dma2 semaphore(%run_scoped3A : memref<!tpu.dma_semaphore, #tpu.memory_space<semaphore_mem>>) src(%arg7 : memref<10240xf32, #tpu.memory_space<hbm>>) dst(%arg13 : memref<10240xf32, #tpu.memory_space<vmem>>)
      tpu.yield
    }) : () -> ()
    "tpu.region"() ({
      %run_scoped3A = tpu.sem_alloc : memref<!tpu.dma_semaphore, #tpu.memory_space<semaphore_mem>>
      tpu.enqueue_dma source(%arg8 : memref<408xf32, #tpu.memory_space<hbm>>) target(%arg14 : memref<408xf32, #tpu.memory_space<vmem>>) target_semaphore(%run_scoped3A : memref<!tpu.dma_semaphore, #tpu.memory_space<semaphore_mem>>)
      tpu.wait_dma2 semaphore(%run_scoped3A : memref<!tpu.dma_semaphore, #tpu.memory_space<semaphore_mem>>) src(%arg8 : memref<408xf32, #tpu.memory_space<hbm>>) dst(%arg14 : memref<408xf32, #tpu.memory_space<vmem>>)
      tpu.yield
    }) : () -> ()
    %mul3A_1 = arith.constant 640 : i32
    %mul3A_2 = arith.muli %arg1, %mul3A_1 : i32
    %mul3A_3 = arith.constant 640 : i32
    %mul3A_4 = arith.muli %arg1, %mul3A_3 : i32
    "tpu.region"() ({
      %run_scoped3A = tpu.sem_alloc : memref<!tpu.dma_semaphore, #tpu.memory_space<semaphore_mem>>
      %dma_start3A_54 = arith.constant 0 : i32
      %dma_start3A_55 = tpu.memref_slice %arg27[%mul3A_4, %dma_start3A_54] : memref<10240x128xf32, #tpu.memory_space<vmem_shared>> -> memref<640x128xf32, #tpu.memory_space<vmem_shared>>
      %dma_start3A_56 = arith.constant 0 : i32
      %dma_start3A_57 = tpu.memref_slice %arg9[%mul3A_2, %dma_start3A_56] : memref<10240x128xf32, #tpu.memory_space<hbm>> -> memref<640x128xf32, #tpu.memory_space<hbm>>
      tpu.enqueue_dma source(%dma_start3A_57 : memref<640x128xf32, #tpu.memory_space<hbm>>) target(%dma_start3A_55 : memref<640x128xf32, #tpu.memory_space<vmem_shared>>) target_semaphore(%run_scoped3A : memref<!tpu.dma_semaphore, #tpu.memory_space<semaphore_mem>>)
      %dma_wait3A_58 = arith.constant 0 : i32
      %dma_wait3A_59 = tpu.memref_slice %arg27[%mul3A_4, %dma_wait3A_58] : memref<10240x128xf32, #tpu.memory_space<vmem_shared>> -> memref<640x128xf32, #tpu.memory_space<vmem_shared>>
      %dma_wait3A_60 = arith.constant 0 : i32
      %dma_wait3A_61 = tpu.memref_slice %arg9[%mul3A_2, %dma_wait3A_60] : memref<10240x128xf32, #tpu.memory_space<hbm>> -> memref<640x128xf32, #tpu.memory_space<hbm>>
      tpu.wait_dma2 semaphore(%run_scoped3A : memref<!tpu.dma_semaphore, #tpu.memory_space<semaphore_mem>>) src(%dma_wait3A_61 : memref<640x128xf32, #tpu.memory_space<hbm>>) dst(%dma_wait3A_59 : memref<640x128xf32, #tpu.memory_space<vmem_shared>>)
      tpu.yield
    }) : () -> ()
    %eq3A = arith.constant 0 : i32
    %eq3A_5 = arith.cmpi eq, %arg1, %eq3A : i32
    %convert_element_type3A = arith.extui %eq3A_5 : i1 to i32
    %cond3A = arith.constant 0 : i32
    %cond3A_6 = arith.cmpi ne, %convert_element_type3A, %cond3A : i32
    scf.if %cond3A_6 {
      "tpu.region"() ({
        %run_scoped3A = tpu.sem_alloc : memref<!tpu.dma_semaphore, #tpu.memory_space<semaphore_mem>>
        tpu.enqueue_dma source(%arg10 : memref<10240xf32, #tpu.memory_space<hbm>>) target(%arg28 : memref<10240xf32, #tpu.memory_space<vmem_shared>>) target_semaphore(%run_scoped3A : memref<!tpu.dma_semaphore, #tpu.memory_space<semaphore_mem>>)
        tpu.wait_dma2 semaphore(%run_scoped3A : memref<!tpu.dma_semaphore, #tpu.memory_space<semaphore_mem>>) src(%arg10 : memref<10240xf32, #tpu.memory_space<hbm>>) dst(%arg28 : memref<10240xf32, #tpu.memory_space<vmem_shared>>)
        tpu.yield
      }) : () -> ()
    } else {
    }
    %barrier3A = arith.constant 0 : index
    tpu.barrier barrier_id(%barrier3A)
    %mul3A_7 = arith.constant 10240 : i32
    %mul3A_8 = arith.muli %add3A, %mul3A_7 : i32
    %add3A_9 = arith.constant 0 : i32
    %add3A_10 = arith.addi %mul3A_8, %add3A_9 : i32
    %dma_start3A = tpu.memref_slice %arg2[%add3A_10] : memref<327680xi32, #tpu.memory_space<hbm>> -> memref<64xi32, #tpu.memory_space<hbm>>
    %dma_start3A_11 = tpu.memref_slice %arg2[%add3A_10] : memref<327680xi32, #tpu.memory_space<hbm>> -> memref<64xi32, #tpu.memory_space<hbm>>
    tpu.enqueue_dma source(%dma_start3A_11 : memref<64xi32, #tpu.memory_space<hbm>>) target(%arg15 : memref<64xi32, #tpu.memory_space<vmem>>) target_semaphore(%arg29 : memref<!tpu.dma_semaphore, #tpu.memory_space<semaphore_mem>>)
    %dma_start3A_12 = tpu.memref_slice %arg3[%add3A_10] : memref<327680xi32, #tpu.memory_space<hbm>> -> memref<64xi32, #tpu.memory_space<hbm>>
    %dma_start3A_13 = tpu.memref_slice %arg3[%add3A_10] : memref<327680xi32, #tpu.memory_space<hbm>> -> memref<64xi32, #tpu.memory_space<hbm>>
    tpu.enqueue_dma source(%dma_start3A_13 : memref<64xi32, #tpu.memory_space<hbm>>) target(%arg16 : memref<64xi32, #tpu.memory_space<vmem>>) target_semaphore(%arg29 : memref<!tpu.dma_semaphore, #tpu.memory_space<semaphore_mem>>)
    %dma_start3A_14 = tpu.memref_slice %arg4[%add3A_10] : memref<327680xi32, #tpu.memory_space<hbm>> -> memref<64xi32, #tpu.memory_space<hbm>>
    %dma_start3A_15 = tpu.memref_slice %arg4[%add3A_10] : memref<327680xi32, #tpu.memory_space<hbm>> -> memref<64xi32, #tpu.memory_space<hbm>>
    tpu.enqueue_dma source(%dma_start3A_15 : memref<64xi32, #tpu.memory_space<hbm>>) target(%arg17 : memref<64xi32, #tpu.memory_space<vmem>>) target_semaphore(%arg29 : memref<!tpu.dma_semaphore, #tpu.memory_space<semaphore_mem>>)
    %dma_wait3A = arith.constant 0 : i32
    %dma_wait3A_16 = tpu.memref_slice %arg2[%dma_wait3A] : memref<327680xi32, #tpu.memory_space<hbm>> -> memref<64xi32, #tpu.memory_space<hbm>>
    %dma_wait3A_17 = arith.constant 0 : i32
    %dma_wait3A_18 = tpu.memref_slice %arg2[%dma_wait3A_17] : memref<327680xi32, #tpu.memory_space<hbm>> -> memref<64xi32, #tpu.memory_space<hbm>>
    tpu.wait_dma2 semaphore(%arg29 : memref<!tpu.dma_semaphore, #tpu.memory_space<semaphore_mem>>) src(%dma_wait3A_18 : memref<64xi32, #tpu.memory_space<hbm>>) dst(%arg15 : memref<64xi32, #tpu.memory_space<vmem>>)
    %dma_wait3A_19 = arith.constant 0 : i32
    %dma_wait3A_20 = tpu.memref_slice %arg2[%dma_wait3A_19] : memref<327680xi32, #tpu.memory_space<hbm>> -> memref<64xi32, #tpu.memory_space<hbm>>
    %dma_wait3A_21 = arith.constant 0 : i32
    %dma_wait3A_22 = tpu.memref_slice %arg2[%dma_wait3A_21] : memref<327680xi32, #tpu.memory_space<hbm>> -> memref<64xi32, #tpu.memory_space<hbm>>
    tpu.wait_dma2 semaphore(%arg29 : memref<!tpu.dma_semaphore, #tpu.memory_space<semaphore_mem>>) src(%dma_wait3A_22 : memref<64xi32, #tpu.memory_space<hbm>>) dst(%arg16 : memref<64xi32, #tpu.memory_space<vmem>>)
    %dma_wait3A_23 = arith.constant 0 : i32
    %dma_wait3A_24 = tpu.memref_slice %arg2[%dma_wait3A_23] : memref<327680xi32, #tpu.memory_space<hbm>> -> memref<64xi32, #tpu.memory_space<hbm>>
    %dma_wait3A_25 = arith.constant 0 : i32
    %dma_wait3A_26 = tpu.memref_slice %arg2[%dma_wait3A_25] : memref<327680xi32, #tpu.memory_space<hbm>> -> memref<64xi32, #tpu.memory_space<hbm>>
    tpu.wait_dma2 semaphore(%arg29 : memref<!tpu.dma_semaphore, #tpu.memory_space<semaphore_mem>>) src(%dma_wait3A_26 : memref<64xi32, #tpu.memory_space<hbm>>) dst(%arg17 : memref<64xi32, #tpu.memory_space<vmem>>)
    %dma_start3A_27 = arith.constant 0 : i32
    %dma_start3A_28 = arith.constant 0 : i32
    %dma_start3A_29 = tpu.memref_slice %arg5[%dma_start3A_27, %dma_start3A_28] : memref<10240x128xf32, #tpu.memory_space<hbm>> -> memref<10240x128xf32, #tpu.memory_space<hbm>>
    tpu.enqueue_indirect_dma source(%dma_start3A_29 : memref<10240x128xf32, #tpu.memory_space<hbm>>) target(%arg18 : memref<64x128xf32, #tpu.memory_space<vmem>>) offsets(%arg15 : memref<64xi32, #tpu.memory_space<vmem>>) semaphore(%arg30 : memref<!tpu.dma_semaphore, #tpu.memory_space<semaphore_mem>>)
    %dma_start3A_30 = arith.constant 0 : i32
    %dma_start3A_31 = arith.constant 0 : i32
    %dma_start3A_32 = tpu.memref_slice %arg6[%dma_start3A_30, %dma_start3A_31] : memref<408x128xf32, #tpu.memory_space<hbm>> -> memref<408x128xf32, #tpu.memory_space<hbm>>
    tpu.enqueue_indirect_dma source(%dma_start3A_32 : memref<408x128xf32, #tpu.memory_space<hbm>>) target(%arg19 : memref<64x128xf32, #tpu.memory_space<vmem>>) offsets(%arg17 : memref<64xi32, #tpu.memory_space<vmem>>) semaphore(%arg31 : memref<!tpu.dma_semaphore, #tpu.memory_space<semaphore_mem>>)
    %scan3A = arith.constant 0 : i32
    %scan3A_33 = arith.constant 0 : i32
    %scan3A_34 = arith.constant 80 : i32
    %scan3A_35 = arith.addi %scan3A_33, %scan3A_34 : i32
    %scan3A_36 = arith.constant 1 : i32
    %scan3A_37 = scf.for %scan3A_54 = %scan3A_33 to %scan3A_35 step %scan3A_36 iter_args(%scan3A_55 = %scan3A) -> (i32)  : i32 {
      %mul3A_56 = arith.constant 2 : i32
      %mul3A_57 = arith.muli %mul3A_56, %scan3A_54 : i32
      %scan3A_58 = arith.constant 0 : i32
      %scan3A_59 = arith.constant 0 : i32
      %mul3A_60 = arith.constant 16 : i32
      %mul3A_61 = arith.muli %scan3A_59, %mul3A_60 : i32
      %get3A = arith.index_cast %mul3A_61 : i32 to index
      %get3A_62 = tpu.vector_load %arg15[%get3A] {strides = array<i32>} : memref<64xi32, #tpu.memory_space<vmem>>, vector<16xi32>,
      %mul3A_63 = arith.constant 16 : i32
      %mul3A_64 = arith.muli %scan3A_59, %mul3A_63 : i32
      %get3A_65 = arith.index_cast %mul3A_64 : i32 to index
      %get3A_66 = tpu.vector_load %arg17[%get3A_65] {strides = array<i32>} : memref<64xi32, #tpu.memory_space<vmem>>, vector<16xi32>,
      %gather3A = tpu.vector_load_idx %arg13[%get3A_62] : memref<10240xf32, #tpu.memory_space<vmem>>[vector<16xi32>], vector<16xf32>,
      %gather3A_67 = tpu.vector_load_idx %arg14[%get3A_66] : memref<408xf32, #tpu.memory_space<vmem>>[vector<16xi32>], vector<16xf32>,
      %add3A_68 = arith.addf %gather3A, %gather3A_67 : vector<16xf32>
      %abs3A = math.absf %add3A_68 : vector<16xf32>
      %mul3A_69 = arith.constant 2.000000e+00 : f32
      %mul3A_70 = vector.broadcast %mul3A_69 : f32 to vector<16xf32>
      %mul3A_71 = arith.mulf %abs3A, %mul3A_70 : vector<16xf32>
      %exp3A = math.exp %mul3A_71 : vector<16xf32>
      %add3A_72 = arith.constant 1.000000e+00 : f32
      %add3A_73 = vector.broadcast %add3A_72 : f32 to vector<16xf32>
      %add3A_74 = arith.addf %exp3A, %add3A_73 : vector<16xf32>
      %div3A = arith.constant 2.000000e+00 : f32
      %div3A_75 = vector.broadcast %div3A : f32 to vector<16xf32>
      %div3A_76 = arith.divf %div3A_75, %add3A_74 : vector<16xf32>
      %sub3A = arith.constant 1.000000e+00 : f32
      %sub3A_77 = vector.broadcast %sub3A : f32 to vector<16xf32>
      %sub3A_78 = arith.subf %sub3A_77, %div3A_76 : vector<16xf32>
      %lt3A = arith.constant 0.000000e+00 : f32
      %lt3A_79 = vector.broadcast %lt3A : f32 to vector<16xf32>
      %lt3A_80 = arith.cmpf olt, %add3A_68, %lt3A_79 : vector<16xf32>
      %neg3A = arith.constant 0.000000e+00 : f32
      %neg3A_81 = vector.broadcast %neg3A : f32 to vector<16xf32>
      %neg3A_82 = arith.subf %neg3A_81, %sub3A_78 : vector<16xf32>
      %select_n3A = arith.select %lt3A_80, %neg3A_82, %sub3A_78 : vector<16xi1>, vector<16xf32>
      %exp3A_83 = math.exp %select_n3A : vector<16xf32>
      %mul3A_84 = arith.constant 16 : i32
      %mul3A_85 = arith.muli %scan3A_59, %mul3A_84 : i32
      %swap3A = arith.index_cast %mul3A_85 : i32 to index
      %swap3A_86 = tpu.vector_load %arg20[%swap3A] {strides = array<i32>} : memref<64xf32, #tpu.memory_space<vmem>>, vector<16xf32>,
      tpu.vector_store %arg20[%swap3A], %exp3A_83 {strides = array<i32>} : memref<64xf32, #tpu.memory_space<vmem>>, vector<16xf32>,
      %scan3A_87 = arith.constant 0 : i32
      %scan3A_88 = arith.constant 1 : i32
      %mul3A_89 = arith.constant 16 : i32
      %mul3A_90 = arith.muli %scan3A_88, %mul3A_89 : i32
      %get3A_91 = arith.index_cast %mul3A_90 : i32 to index
      %get3A_92 = tpu.vector_load %arg15[%get3A_91] {strides = array<i32>} : memref<64xi32, #tpu.memory_space<vmem>>, vector<16xi32>,
      %mul3A_93 = arith.constant 16 : i32
      %mul3A_94 = arith.muli %scan3A_88, %mul3A_93 : i32
      %get3A_95 = arith.index_cast %mul3A_94 : i32 to index
      %get3A_96 = tpu.vector_load %arg17[%get3A_95] {strides = array<i32>} : memref<64xi32, #tpu.memory_space<vmem>>, vector<16xi32>,
      %gather3A_97 = tpu.vector_load_idx %arg13[%get3A_92] : memref<10240xf32, #tpu.memory_space<vmem>>[vector<16xi32>], vector<16xf32>,
      %gather3A_98 = tpu.vector_load_idx %arg14[%get3A_96] : memref<408xf32, #tpu.memory_space<vmem>>[vector<16xi32>], vector<16xf32>,
      %add3A_99 = arith.addf %gather3A_97, %gather3A_98 : vector<16xf32>
      %abs3A_100 = math.absf %add3A_99 : vector<16xf32>
      %mul3A_101 = arith.constant 2.000000e+00 : f32
      %mul3A_102 = vector.broadcast %mul3A_101 : f32 to vector<16xf32>
      %mul3A_103 = arith.mulf %abs3A_100, %mul3A_102 : vector<16xf32>
      %exp3A_104 = math.exp %mul3A_103 : vector<16xf32>
      %add3A_105 = arith.constant 1.000000e+00 : f32
      %add3A_106 = vector.broadcast %add3A_105 : f32 to vector<16xf32>
      %add3A_107 = arith.addf %exp3A_104, %add3A_106 : vector<16xf32>
      %div3A_108 = arith.constant 2.000000e+00 : f32
      %div3A_109 = vector.broadcast %div3A_108 : f32 to vector<16xf32>
      %div3A_110 = arith.divf %div3A_109, %add3A_107 : vector<16xf32>
      %sub3A_111 = arith.constant 1.000000e+00 : f32
      %sub3A_112 = vector.broadcast %sub3A_111 : f32 to vector<16xf32>
      %sub3A_113 = arith.subf %sub3A_112, %div3A_110 : vector<16xf32>
      %lt3A_114 = arith.constant 0.000000e+00 : f32
      %lt3A_115 = vector.broadcast %lt3A_114 : f32 to vector<16xf32>
      %lt3A_116 = arith.cmpf olt, %add3A_99, %lt3A_115 : vector<16xf32>
      %neg3A_117 = arith.constant 0.000000e+00 : f32
      %neg3A_118 = vector.broadcast %neg3A_117 : f32 to vector<16xf32>
      %neg3A_119 = arith.subf %neg3A_118, %sub3A_113 : vector<16xf32>
      %select_n3A_120 = arith.select %lt3A_116, %neg3A_119, %sub3A_113 : vector<16xi1>, vector<16xf32>
      %exp3A_121 = math.exp %select_n3A_120 : vector<16xf32>
      %mul3A_122 = arith.constant 16 : i32
      %mul3A_123 = arith.muli %scan3A_88, %mul3A_122 : i32
      %swap3A_124 = arith.index_cast %mul3A_123 : i32 to index
      %swap3A_125 = tpu.vector_load %arg20[%swap3A_124] {strides = array<i32>} : memref<64xf32, #tpu.memory_space<vmem>>, vector<16xf32>,
      tpu.vector_store %arg20[%swap3A_124], %exp3A_121 {strides = array<i32>} : memref<64xf32, #tpu.memory_space<vmem>>, vector<16xf32>,
      %scan3A_126 = arith.constant 0 : i32
      %scan3A_127 = arith.constant 2 : i32
      %mul3A_128 = arith.constant 16 : i32
      %mul3A_129 = arith.muli %scan3A_127, %mul3A_128 : i32
      %get3A_130 = arith.index_cast %mul3A_129 : i32 to index
      %get3A_131 = tpu.vector_load %arg15[%get3A_130] {strides = array<i32>} : memref<64xi32, #tpu.memory_space<vmem>>, vector<16xi32>,
      %mul3A_132 = arith.constant 16 : i32
      %mul3A_133 = arith.muli %scan3A_127, %mul3A_132 : i32
      %get3A_134 = arith.index_cast %mul3A_133 : i32 to index
      %get3A_135 = tpu.vector_load %arg17[%get3A_134] {strides = array<i32>} : memref<64xi32, #tpu.memory_space<vmem>>, vector<16xi32>,
      %gather3A_136 = tpu.vector_load_idx %arg13[%get3A_131] : memref<10240xf32, #tpu.memory_space<vmem>>[vector<16xi32>], vector<16xf32>,
      %gather3A_137 = tpu.vector_load_idx %arg14[%get3A_135] : memref<408xf32, #tpu.memory_space<vmem>>[vector<16xi32>], vector<16xf32>,
      %add3A_138 = arith.addf %gather3A_136, %gather3A_137 : vector<16xf32>
      %abs3A_139 = math.absf %add3A_138 : vector<16xf32>
      %mul3A_140 = arith.constant 2.000000e+00 : f32
      %mul3A_141 = vector.broadcast %mul3A_140 : f32 to vector<16xf32>
      %mul3A_142 = arith.mulf %abs3A_139, %mul3A_141 : vector<16xf32>
      %exp3A_143 = math.exp %mul3A_142 : vector<16xf32>
      %add3A_144 = arith.constant 1.000000e+00 : f32
      %add3A_145 = vector.broadcast %add3A_144 : f32 to vector<16xf32>
      %add3A_146 = arith.addf %exp3A_143, %add3A_145 : vector<16xf32>
      %div3A_147 = arith.constant 2.000000e+00 : f32
      %div3A_148 = vector.broadcast %div3A_147 : f32 to vector<16xf32>
      %div3A_149 = arith.divf %div3A_148, %add3A_146 : vector<16xf32>
      %sub3A_150 = arith.constant 1.000000e+00 : f32
      %sub3A_151 = vector.broadcast %sub3A_150 : f32 to vector<16xf32>
      %sub3A_152 = arith.subf %sub3A_151, %div3A_149 : vector<16xf32>
      %lt3A_153 = arith.constant 0.000000e+00 : f32
      %lt3A_154 = vector.broadcast %lt3A_153 : f32 to vector<16xf32>
      %lt3A_155 = arith.cmpf olt, %add3A_138, %lt3A_154 : vector<16xf32>
      %neg3A_156 = arith.constant 0.000000e+00 : f32
      %neg3A_157 = vector.broadcast %neg3A_156 : f32 to vector<16xf32>
      %neg3A_158 = arith.subf %neg3A_157, %sub3A_152 : vector<16xf32>
      %select_n3A_159 = arith.select %lt3A_155, %neg3A_158, %sub3A_152 : vector<16xi1>, vector<16xf32>
      %exp3A_160 = math.exp %select_n3A_159 : vector<16xf32>
      %mul3A_161 = arith.constant 16 : i32
      %mul3A_162 = arith.muli %scan3A_127, %mul3A_161 : i32
      %swap3A_163 = arith.index_cast %mul3A_162 : i32 to index
      %swap3A_164 = tpu.vector_load %arg20[%swap3A_163] {strides = array<i32>} : memref<64xf32, #tpu.memory_space<vmem>>, vector<16xf32>,
      tpu.vector_store %arg20[%swap3A_163], %exp3A_160 {strides = array<i32>} : memref<64xf32, #tpu.memory_space<vmem>>, vector<16xf32>,
      %scan3A_165 = arith.constant 0 : i32
      %scan3A_166 = arith.constant 3 : i32
      %mul3A_167 = arith.constant 16 : i32
      %mul3A_168 = arith.muli %scan3A_166, %mul3A_167 : i32
      %get3A_169 = arith.index_cast %mul3A_168 : i32 to index
      %get3A_170 = tpu.vector_load %arg15[%get3A_169] {strides = array<i32>} : memref<64xi32, #tpu.memory_space<vmem>>, vector<16xi32>,
      %mul3A_171 = arith.constant 16 : i32
      %mul3A_172 = arith.muli %scan3A_166, %mul3A_171 : i32
      %get3A_173 = arith.index_cast %mul3A_172 : i32 to index
      %get3A_174 = tpu.vector_load %arg17[%get3A_173] {strides = array<i32>} : memref<64xi32, #tpu.memory_space<vmem>>, vector<16xi32>,
      %gather3A_175 = tpu.vector_load_idx %arg13[%get3A_170] : memref<10240xf32, #tpu.memory_space<vmem>>[vector<16xi32>], vector<16xf32>,
      %gather3A_176 = tpu.vector_load_idx %arg14[%get3A_174] : memref<408xf32, #tpu.memory_space<vmem>>[vector<16xi32>], vector<16xf32>,
      %add3A_177 = arith.addf %gather3A_175, %gather3A_176 : vector<16xf32>
      %abs3A_178 = math.absf %add3A_177 : vector<16xf32>
      %mul3A_179 = arith.constant 2.000000e+00 : f32
      %mul3A_180 = vector.broadcast %mul3A_179 : f32 to vector<16xf32>
      %mul3A_181 = arith.mulf %abs3A_178, %mul3A_180 : vector<16xf32>
      %exp3A_182 = math.exp %mul3A_181 : vector<16xf32>
      %add3A_183 = arith.constant 1.000000e+00 : f32
      %add3A_184 = vector.broadcast %add3A_183 : f32 to vector<16xf32>
      %add3A_185 = arith.addf %exp3A_182, %add3A_184 : vector<16xf32>
      %div3A_186 = arith.constant 2.000000e+00 : f32
      %div3A_187 = vector.broadcast %div3A_186 : f32 to vector<16xf32>
      %div3A_188 = arith.divf %div3A_187, %add3A_185 : vector<16xf32>
      %sub3A_189 = arith.constant 1.000000e+00 : f32
      %sub3A_190 = vector.broadcast %sub3A_189 : f32 to vector<16xf32>
      %sub3A_191 = arith.subf %sub3A_190, %div3A_188 : vector<16xf32>
      %lt3A_192 = arith.constant 0.000000e+00 : f32
      %lt3A_193 = vector.broadcast %lt3A_192 : f32 to vector<16xf32>
      %lt3A_194 = arith.cmpf olt, %add3A_177, %lt3A_193 : vector<16xf32>
      %neg3A_195 = arith.constant 0.000000e+00 : f32
      %neg3A_196 = vector.broadcast %neg3A_195 : f32 to vector<16xf32>
      %neg3A_197 = arith.subf %neg3A_196, %sub3A_191 : vector<16xf32>
      %select_n3A_198 = arith.select %lt3A_194, %neg3A_197, %sub3A_191 : vector<16xi1>, vector<16xf32>
      %exp3A_199 = math.exp %select_n3A_198 : vector<16xf32>
      %mul3A_200 = arith.constant 16 : i32
      %mul3A_201 = arith.muli %scan3A_166, %mul3A_200 : i32
      %swap3A_202 = arith.index_cast %mul3A_201 : i32 to index
      %swap3A_203 = tpu.vector_load %arg20[%swap3A_202] {strides = array<i32>} : memref<64xf32, #tpu.memory_space<vmem>>, vector<16xf32>,
      tpu.vector_store %arg20[%swap3A_202], %exp3A_199 {strides = array<i32>} : memref<64xf32, #tpu.memory_space<vmem>>, vector<16xf32>,
      %scan3A_204 = arith.constant 0 : i32
      %scan3A_205 = arith.constant 4 : i32
      %ge3A = arith.constant 1 : i32
      %ge3A_206 = arith.cmpi sge, %mul3A_57, %ge3A : i32
      %convert_element_type3A_207 = arith.extui %ge3A_206 : i1 to i32
      %cond3A_208 = arith.constant 0 : i32
      %cond3A_209 = arith.cmpi ne, %convert_element_type3A_207, %cond3A_208 : i32
      scf.if %cond3A_209 {
        %dma_wait3A_442 = arith.constant 0 : i32
        %dma_wait3A_443 = arith.constant 0 : i32
        %dma_wait3A_444 = tpu.memref_slice %arg27[%dma_wait3A_442, %dma_wait3A_443] : memref<10240x128xf32, #tpu.memory_space<vmem_shared>> -> memref<10240x128xf32, #tpu.memory_space<vmem_shared>>
        tpu.wait_indirect_dma semaphore(%arg37 : memref<!tpu.dma_semaphore, #tpu.memory_space<semaphore_mem>>) src(%arg24 : memref<64x128xf32, #tpu.memory_space<vmem>>) dst(%dma_wait3A_444 : memref<10240x128xf32, #tpu.memory_space<vmem_shared>>)
        %dma_wait3A_445 = arith.constant 0 : i32
        %dma_wait3A_446 = tpu.memref_slice %arg28[%dma_wait3A_445] : memref<10240xf32, #tpu.memory_space<vmem_shared>> -> memref<10240xf32, #tpu.memory_space<vmem_shared>>
        tpu.wait_indirect_dma semaphore(%arg38 : memref<!tpu.dma_semaphore, #tpu.memory_space<semaphore_mem>>) src(%arg26 : memref<64xf32, #tpu.memory_space<vmem>>) dst(%dma_wait3A_446 : memref<10240xf32, #tpu.memory_space<vmem_shared>>)
      } else {
      }
      %add3A_210 = arith.constant 1 : i32
      %add3A_211 = arith.addi %mul3A_57, %add3A_210 : i32
      %lt3A_212 = arith.constant 160 : i32
      %lt3A_213 = arith.cmpi slt, %add3A_211, %lt3A_212 : i32
      %convert_element_type3A_214 = arith.extui %lt3A_213 : i1 to i32
      %cond3A_215 = arith.constant 0 : i32
      %cond3A_216 = arith.cmpi ne, %convert_element_type3A_214, %cond3A_215 : i32
      scf.if %cond3A_216 {
        %add3A_442 = arith.constant 1 : i32
        %add3A_443 = arith.addi %mul3A_57, %add3A_442 : i32
        %mul3A_444 = arith.constant 64 : i32
        %mul3A_445 = arith.muli %add3A_443, %mul3A_444 : i32
        %add3A_446 = arith.addi %mul3A_8, %mul3A_445 : i32
        %dma_start3A_447 = tpu.memref_slice %arg2[%add3A_446] : memref<327680xi32, #tpu.memory_space<hbm>> -> memref<64xi32, #tpu.memory_space<hbm>>
        %dma_start3A_448 = tpu.memref_slice %arg2[%add3A_446] : memref<327680xi32, #tpu.memory_space<hbm>> -> memref<64xi32, #tpu.memory_space<hbm>>
        tpu.enqueue_dma source(%dma_start3A_448 : memref<64xi32, #tpu.memory_space<hbm>>) target(%arg21 : memref<64xi32, #tpu.memory_space<vmem>>) target_semaphore(%arg34 : memref<!tpu.dma_semaphore, #tpu.memory_space<semaphore_mem>>)
        %dma_start3A_449 = tpu.memref_slice %arg3[%add3A_446] : memref<327680xi32, #tpu.memory_space<hbm>> -> memref<64xi32, #tpu.memory_space<hbm>>
        %dma_start3A_450 = tpu.memref_slice %arg3[%add3A_446] : memref<327680xi32, #tpu.memory_space<hbm>> -> memref<64xi32, #tpu.memory_space<hbm>>
        tpu.enqueue_dma source(%dma_start3A_450 : memref<64xi32, #tpu.memory_space<hbm>>) target(%arg22 : memref<64xi32, #tpu.memory_space<vmem>>) target_semaphore(%arg34 : memref<!tpu.dma_semaphore, #tpu.memory_space<semaphore_mem>>)
        %dma_start3A_451 = tpu.memref_slice %arg4[%add3A_446] : memref<327680xi32, #tpu.memory_space<hbm>> -> memref<64xi32, #tpu.memory_space<hbm>>
        %dma_start3A_452 = tpu.memref_slice %arg4[%add3A_446] : memref<327680xi32, #tpu.memory_space<hbm>> -> memref<64xi32, #tpu.memory_space<hbm>>
        tpu.enqueue_dma source(%dma_start3A_452 : memref<64xi32, #tpu.memory_space<hbm>>) target(%arg23 : memref<64xi32, #tpu.memory_space<vmem>>) target_semaphore(%arg34 : memref<!tpu.dma_semaphore, #tpu.memory_space<semaphore_mem>>)
      } else {
      }
      %dma_wait3A_217 = arith.constant 0 : i32
      %dma_wait3A_218 = arith.constant 0 : i32
      %dma_wait3A_219 = tpu.memref_slice %arg5[%dma_wait3A_217, %dma_wait3A_218] : memref<10240x128xf32, #tpu.memory_space<hbm>> -> memref<10240x128xf32, #tpu.memory_space<hbm>>
      tpu.wait_indirect_dma semaphore(%arg30 : memref<!tpu.dma_semaphore, #tpu.memory_space<semaphore_mem>>) src(%dma_wait3A_219 : memref<10240x128xf32, #tpu.memory_space<hbm>>) dst(%arg18 : memref<64x128xf32, #tpu.memory_space<vmem>>)
      %dma_wait3A_220 = arith.constant 0 : i32
      %dma_wait3A_221 = arith.constant 0 : i32
      %dma_wait3A_222 = tpu.memref_slice %arg6[%dma_wait3A_220, %dma_wait3A_221] : memref<408x128xf32, #tpu.memory_space<hbm>> -> memref<408x128xf32, #tpu.memory_space<hbm>>
      tpu.wait_indirect_dma semaphore(%arg31 : memref<!tpu.dma_semaphore, #tpu.memory_space<semaphore_mem>>) src(%dma_wait3A_222 : memref<408x128xf32, #tpu.memory_space<hbm>>) dst(%arg19 : memref<64x128xf32, #tpu.memory_space<vmem>>)
      %add3A_223 = arith.constant 1 : i32
      %add3A_224 = arith.addi %mul3A_57, %add3A_223 : i32
      %lt3A_225 = arith.constant 160 : i32
      %lt3A_226 = arith.cmpi slt, %add3A_224, %lt3A_225 : i32
      %convert_element_type3A_227 = arith.extui %lt3A_226 : i1 to i32
      %cond3A_228 = arith.constant 0 : i32
      %cond3A_229 = arith.cmpi ne, %convert_element_type3A_227, %cond3A_228 : i32
      scf.if %cond3A_229 {
        %dma_wait3A_442 = arith.constant 0 : i32
        %dma_wait3A_443 = tpu.memref_slice %arg2[%dma_wait3A_442] : memref<327680xi32, #tpu.memory_space<hbm>> -> memref<64xi32, #tpu.memory_space<hbm>>
        %dma_wait3A_444 = arith.constant 0 : i32
        %dma_wait3A_445 = tpu.memref_slice %arg2[%dma_wait3A_444] : memref<327680xi32, #tpu.memory_space<hbm>> -> memref<64xi32, #tpu.memory_space<hbm>>
        tpu.wait_dma2 semaphore(%arg34 : memref<!tpu.dma_semaphore, #tpu.memory_space<semaphore_mem>>) src(%dma_wait3A_445 : memref<64xi32, #tpu.memory_space<hbm>>) dst(%arg21 : memref<64xi32, #tpu.memory_space<vmem>>)
        %dma_wait3A_446 = arith.constant 0 : i32
        %dma_wait3A_447 = tpu.memref_slice %arg2[%dma_wait3A_446] : memref<327680xi32, #tpu.memory_space<hbm>> -> memref<64xi32, #tpu.memory_space<hbm>>
        %dma_wait3A_448 = arith.constant 0 : i32
        %dma_wait3A_449 = tpu.memref_slice %arg2[%dma_wait3A_448] : memref<327680xi32, #tpu.memory_space<hbm>> -> memref<64xi32, #tpu.memory_space<hbm>>
        tpu.wait_dma2 semaphore(%arg34 : memref<!tpu.dma_semaphore, #tpu.memory_space<semaphore_mem>>) src(%dma_wait3A_449 : memref<64xi32, #tpu.memory_space<hbm>>) dst(%arg22 : memref<64xi32, #tpu.memory_space<vmem>>)
        %dma_wait3A_450 = arith.constant 0 : i32
        %dma_wait3A_451 = tpu.memref_slice %arg2[%dma_wait3A_450] : memref<327680xi32, #tpu.memory_space<hbm>> -> memref<64xi32, #tpu.memory_space<hbm>>
        %dma_wait3A_452 = arith.constant 0 : i32
        %dma_wait3A_453 = tpu.memref_slice %arg2[%dma_wait3A_452] : memref<327680xi32, #tpu.memory_space<hbm>> -> memref<64xi32, #tpu.memory_space<hbm>>
        tpu.wait_dma2 semaphore(%arg34 : memref<!tpu.dma_semaphore, #tpu.memory_space<semaphore_mem>>) src(%dma_wait3A_453 : memref<64xi32, #tpu.memory_space<hbm>>) dst(%arg23 : memref<64xi32, #tpu.memory_space<vmem>>)
        %dma_start3A_454 = arith.constant 0 : i32
        %dma_start3A_455 = arith.constant 0 : i32
        %dma_start3A_456 = tpu.memref_slice %arg5[%dma_start3A_454, %dma_start3A_455] : memref<10240x128xf32, #tpu.memory_space<hbm>> -> memref<10240x128xf32, #tpu.memory_space<hbm>>
        tpu.enqueue_indirect_dma source(%dma_start3A_456 : memref<10240x128xf32, #tpu.memory_space<hbm>>) target(%arg24 : memref<64x128xf32, #tpu.memory_space<vmem>>) offsets(%arg21 : memref<64xi32, #tpu.memory_space<vmem>>) semaphore(%arg35 : memref<!tpu.dma_semaphore, #tpu.memory_space<semaphore_mem>>)
        %dma_start3A_457 = arith.constant 0 : i32
        %dma_start3A_458 = arith.constant 0 : i32
        %dma_start3A_459 = tpu.memref_slice %arg6[%dma_start3A_457, %dma_start3A_458] : memref<408x128xf32, #tpu.memory_space<hbm>> -> memref<408x128xf32, #tpu.memory_space<hbm>>
        tpu.enqueue_indirect_dma source(%dma_start3A_459 : memref<408x128xf32, #tpu.memory_space<hbm>>) target(%arg25 : memref<64x128xf32, #tpu.memory_space<vmem>>) offsets(%arg23 : memref<64xi32, #tpu.memory_space<vmem>>) semaphore(%arg36 : memref<!tpu.dma_semaphore, #tpu.memory_space<semaphore_mem>>)
      } else {
      }
      %scan3A_230 = arith.constant 0 : i32
      %scan3A_231 = arith.constant 0 : i32
      %scan3A_232 = arith.constant 64 : i32
      %scan3A_233 = arith.addi %scan3A_231, %scan3A_232 : i32
      %scan3A_234 = arith.constant 1 : i32
      %scan3A_235 = scf.for %scan3A_442 = %scan3A_231 to %scan3A_233 step %scan3A_234 iter_args(%scan3A_443 = %scan3A_230) -> (i32)  : i32 {
        %broadcast_in_dim3A = vector.broadcast %scan3A_442 : i32 to vector<16xi32>
        %gather3A_444 = tpu.vector_load_idx %arg20[%broadcast_in_dim3A] : memref<64xf32, #tpu.memory_space<vmem>>[vector<16xi32>], vector<16xf32>,
        %get3A_445 = arith.index_cast %scan3A_442 : i32 to index
        %get3A_446 = arith.constant 0 : index
        %get3A_447 = tpu.vector_load %arg18[%get3A_445, %get3A_446] {strides = array<i32>} : memref<64x128xf32, #tpu.memory_space<vmem>>, vector<16xf32>,
        %get3A_448 = arith.index_cast %scan3A_442 : i32 to index
        %get3A_449 = arith.constant 0 : index
        %get3A_450 = tpu.vector_load %arg19[%get3A_448, %get3A_449] {strides = array<i32>} : memref<64x128xf32, #tpu.memory_space<vmem>>, vector<16xf32>,
        %add3A_451 = arith.addf %get3A_447, %get3A_450 : vector<16xf32>
        %mul3A_452 = arith.mulf %gather3A_444, %add3A_451 : vector<16xf32>
        %swap3A_453 = arith.index_cast %scan3A_442 : i32 to index
        %swap3A_454 = arith.constant 0 : index
        %swap3A_455 = tpu.vector_load %arg18[%swap3A_453, %swap3A_454] {strides = array<i32>} : memref<64x128xf32, #tpu.memory_space<vmem>>, vector<16xf32>,
        tpu.vector_store %arg18[%swap3A_453, %swap3A_454], %mul3A_452 {strides = array<i32>} : memref<64x128xf32, #tpu.memory_space<vmem>>, vector<16xf32>,
        %get3A_456 = arith.index_cast %scan3A_442 : i32 to index
        %get3A_457 = arith.constant 16 : index
        %get3A_458 = tpu.vector_load %arg18[%get3A_456, %get3A_457] {strides = array<i32>} : memref<64x128xf32, #tpu.memory_space<vmem>>, vector<16xf32>,
        %get3A_459 = arith.index_cast %scan3A_442 : i32 to index
        %get3A_460 = arith.constant 16 : index
        %get3A_461 = tpu.vector_load %arg19[%get3A_459, %get3A_460] {strides = array<i32>} : memref<64x128xf32, #tpu.memory_space<vmem>>, vector<16xf32>,
        %add3A_462 = arith.addf %get3A_458, %get3A_461 : vector<16xf32>
        %mul3A_463 = arith.mulf %gather3A_444, %add3A_462 : vector<16xf32>
        %swap3A_464 = arith.index_cast %scan3A_442 : i32 to index
        %swap3A_465 = arith.constant 16 : index
        %swap3A_466 = tpu.vector_load %arg18[%swap3A_464, %swap3A_465] {strides = array<i32>} : memref<64x128xf32, #tpu.memory_space<vmem>>, vector<16xf32>,
        tpu.vector_store %arg18[%swap3A_464, %swap3A_465], %mul3A_463 {strides = array<i32>} : memref<64x128xf32, #tpu.memory_space<vmem>>, vector<16xf32>,
        %get3A_467 = arith.index_cast %scan3A_442 : i32 to index
        %get3A_468 = arith.constant 32 : index
        %get3A_469 = tpu.vector_load %arg18[%get3A_467, %get3A_468] {strides = array<i32>} : memref<64x128xf32, #tpu.memory_space<vmem>>, vector<16xf32>,
        %get3A_470 = arith.index_cast %scan3A_442 : i32 to index
        %get3A_471 = arith.constant 32 : index
        %get3A_472 = tpu.vector_load %arg19[%get3A_470, %get3A_471] {strides = array<i32>} : memref<64x128xf32, #tpu.memory_space<vmem>>, vector<16xf32>,
        %add3A_473 = arith.addf %get3A_469, %get3A_472 : vector<16xf32>
        %mul3A_474 = arith.mulf %gather3A_444, %add3A_473 : vector<16xf32>
        %swap3A_475 = arith.index_cast %scan3A_442 : i32 to index
        %swap3A_476 = arith.constant 32 : index
        %swap3A_477 = tpu.vector_load %arg18[%swap3A_475, %swap3A_476] {strides = array<i32>} : memref<64x128xf32, #tpu.memory_space<vmem>>, vector<16xf32>,
        tpu.vector_store %arg18[%swap3A_475, %swap3A_476], %mul3A_474 {strides = array<i32>} : memref<64x128xf32, #tpu.memory_space<vmem>>, vector<16xf32>,
        %get3A_478 = arith.index_cast %scan3A_442 : i32 to index
        %get3A_479 = arith.constant 48 : index
        %get3A_480 = tpu.vector_load %arg18[%get3A_478, %get3A_479] {strides = array<i32>} : memref<64x128xf32, #tpu.memory_space<vmem>>, vector<16xf32>,
        %get3A_481 = arith.index_cast %scan3A_442 : i32 to index
        %get3A_482 = arith.constant 48 : index
        %get3A_483 = tpu.vector_load %arg19[%get3A_481, %get3A_482] {strides = array<i32>} : memref<64x128xf32, #tpu.memory_space<vmem>>, vector<16xf32>,
        %add3A_484 = arith.addf %get3A_480, %get3A_483 : vector<16xf32>
        %mul3A_485 = arith.mulf %gather3A_444, %add3A_484 : vector<16xf32>
        %swap3A_486 = arith.index_cast %scan3A_442 : i32 to index
        %swap3A_487 = arith.constant 48 : index
        %swap3A_488 = tpu.vector_load %arg18[%swap3A_486, %swap3A_487] {strides = array<i32>} : memref<64x128xf32, #tpu.memory_space<vmem>>, vector<16xf32>,
        tpu.vector_store %arg18[%swap3A_486, %swap3A_487], %mul3A_485 {strides = array<i32>} : memref<64x128xf32, #tpu.memory_space<vmem>>, vector<16xf32>,
        %get3A_489 = arith.index_cast %scan3A_442 : i32 to index
        %get3A_490 = arith.constant 64 : index
        %get3A_491 = tpu.vector_load %arg18[%get3A_489, %get3A_490] {strides = array<i32>} : memref<64x128xf32, #tpu.memory_space<vmem>>, vector<16xf32>,
        %get3A_492 = arith.index_cast %scan3A_442 : i32 to index
        %get3A_493 = arith.constant 64 : index
        %get3A_494 = tpu.vector_load %arg19[%get3A_492, %get3A_493] {strides = array<i32>} : memref<64x128xf32, #tpu.memory_space<vmem>>, vector<16xf32>,
        %add3A_495 = arith.addf %get3A_491, %get3A_494 : vector<16xf32>
        %mul3A_496 = arith.mulf %gather3A_444, %add3A_495 : vector<16xf32>
        %swap3A_497 = arith.index_cast %scan3A_442 : i32 to index
        %swap3A_498 = arith.constant 64 : index
        %swap3A_499 = tpu.vector_load %arg18[%swap3A_497, %swap3A_498] {strides = array<i32>} : memref<64x128xf32, #tpu.memory_space<vmem>>, vector<16xf32>,
        tpu.vector_store %arg18[%swap3A_497, %swap3A_498], %mul3A_496 {strides = array<i32>} : memref<64x128xf32, #tpu.memory_space<vmem>>, vector<16xf32>,
        %get3A_500 = arith.index_cast %scan3A_442 : i32 to index
        %get3A_501 = arith.constant 80 : index
        %get3A_502 = tpu.vector_load %arg18[%get3A_500, %get3A_501] {strides = array<i32>} : memref<64x128xf32, #tpu.memory_space<vmem>>, vector<16xf32>,
        %get3A_503 = arith.index_cast %scan3A_442 : i32 to index
        %get3A_504 = arith.constant 80 : index
        %get3A_505 = tpu.vector_load %arg19[%get3A_503, %get3A_504] {strides = array<i32>} : memref<64x128xf32, #tpu.memory_space<vmem>>, vector<16xf32>,
        %add3A_506 = arith.addf %get3A_502, %get3A_505 : vector<16xf32>
        %mul3A_507 = arith.mulf %gather3A_444, %add3A_506 : vector<16xf32>
        %swap3A_508 = arith.index_cast %scan3A_442 : i32 to index
        %swap3A_509 = arith.constant 80 : index
        %swap3A_510 = tpu.vector_load %arg18[%swap3A_508, %swap3A_509] {strides = array<i32>} : memref<64x128xf32, #tpu.memory_space<vmem>>, vector<16xf32>,
        tpu.vector_store %arg18[%swap3A_508, %swap3A_509], %mul3A_507 {strides = array<i32>} : memref<64x128xf32, #tpu.memory_space<vmem>>, vector<16xf32>,
        %get3A_511 = arith.index_cast %scan3A_442 : i32 to index
        %get3A_512 = arith.constant 96 : index
        %get3A_513 = tpu.vector_load %arg18[%get3A_511, %get3A_512] {strides = array<i32>} : memref<64x128xf32, #tpu.memory_space<vmem>>, vector<16xf32>,
        %get3A_514 = arith.index_cast %scan3A_442 : i32 to index
        %get3A_515 = arith.constant 96 : index
        %get3A_516 = tpu.vector_load %arg19[%get3A_514, %get3A_515] {strides = array<i32>} : memref<64x128xf32, #tpu.memory_space<vmem>>, vector<16xf32>,
        %add3A_517 = arith.addf %get3A_513, %get3A_516 : vector<16xf32>
        %mul3A_518 = arith.mulf %gather3A_444, %add3A_517 : vector<16xf32>
        %swap3A_519 = arith.index_cast %scan3A_442 : i32 to index
        %swap3A_520 = arith.constant 96 : index
        %swap3A_521 = tpu.vector_load %arg18[%swap3A_519, %swap3A_520] {strides = array<i32>} : memref<64x128xf32, #tpu.memory_space<vmem>>, vector<16xf32>,
        tpu.vector_store %arg18[%swap3A_519, %swap3A_520], %mul3A_518 {strides = array<i32>} : memref<64x128xf32, #tpu.memory_space<vmem>>, vector<16xf32>,
        %get3A_522 = arith.index_cast %scan3A_442 : i32 to index
        %get3A_523 = arith.constant 112 : index
        %get3A_524 = tpu.vector_load %arg18[%get3A_522, %get3A_523] {strides = array<i32>} : memref<64x128xf32, #tpu.memory_space<vmem>>, vector<16xf32>,
        %get3A_525 = arith.index_cast %scan3A_442 : i32 to index
        %get3A_526 = arith.constant 112 : index
        %get3A_527 = tpu.vector_load %arg19[%get3A_525, %get3A_526] {strides = array<i32>} : memref<64x128xf32, #tpu.memory_space<vmem>>, vector<16xf32>,
        %add3A_528 = arith.addf %get3A_524, %get3A_527 : vector<16xf32>
        %mul3A_529 = arith.mulf %gather3A_444, %add3A_528 : vector<16xf32>
        %swap3A_530 = arith.index_cast %scan3A_442 : i32 to index
        %swap3A_531 = arith.constant 112 : index
        %swap3A_532 = tpu.vector_load %arg18[%swap3A_530, %swap3A_531] {strides = array<i32>} : memref<64x128xf32, #tpu.memory_space<vmem>>, vector<16xf32>,
        tpu.vector_store %arg18[%swap3A_530, %swap3A_531], %mul3A_529 {strides = array<i32>} : memref<64x128xf32, #tpu.memory_space<vmem>>, vector<16xf32>,
        %scan3A_533 = arith.constant 0 : i32
        scf.yield %scan3A_533 : i32
      }
      %scan3A_236 = arith.constant 64 : i32
      %dma_start3A_237 = arith.constant 0 : i32
      %dma_start3A_238 = arith.constant 0 : i32
      %dma_start3A_239 = tpu.memref_slice %arg27[%dma_start3A_237, %dma_start3A_238] : memref<10240x128xf32, #tpu.memory_space<vmem_shared>> -> memref<10240x128xf32, #tpu.memory_space<vmem_shared>>
      tpu.enqueue_indirect_dma source(%arg18 : memref<64x128xf32, #tpu.memory_space<vmem>>) target(%dma_start3A_239 : memref<10240x128xf32, #tpu.memory_space<vmem_shared>>) offsets(%arg16 : memref<64xi32, #tpu.memory_space<vmem>>) semaphore(%arg32 : memref<!tpu.dma_semaphore, #tpu.memory_space<semaphore_mem>>) {add = true}
      %dma_start3A_240 = arith.constant 0 : i32
      %dma_start3A_241 = tpu.memref_slice %arg28[%dma_start3A_240] : memref<10240xf32, #tpu.memory_space<vmem_shared>> -> memref<10240xf32, #tpu.memory_space<vmem_shared>>
      tpu.enqueue_indirect_dma source(%arg20 : memref<64xf32, #tpu.memory_space<vmem>>) target(%dma_start3A_241 : memref<10240xf32, #tpu.memory_space<vmem_shared>>) offsets(%arg16 : memref<64xi32, #tpu.memory_space<vmem>>) semaphore(%arg33 : memref<!tpu.dma_semaphore, #tpu.memory_space<semaphore_mem>>) {add = true}
      %mul3A_242 = arith.constant 2 : i32
      %mul3A_243 = arith.muli %mul3A_242, %scan3A_54 : i32
      %add3A_244 = arith.constant 1 : i32
      %add3A_245 = arith.addi %mul3A_243, %add3A_244 : i32
      %scan3A_246 = arith.constant 0 : i32
      %scan3A_247 = arith.constant 0 : i32
      %mul3A_248 = arith.constant 16 : i32
      %mul3A_249 = arith.muli %scan3A_247, %mul3A_248 : i32
      %get3A_250 = arith.index_cast %mul3A_249 : i32 to index
      %get3A_251 = tpu.vector_load %arg21[%get3A_250] {strides = array<i32>} : memref<64xi32, #tpu.memory_space<vmem>>, vector<16xi32>,
      %mul3A_252 = arith.constant 16 : i32
      %mul3A_253 = arith.muli %scan3A_247, %mul3A_252 : i32
      %get3A_254 = arith.index_cast %mul3A_253 : i32 to index
      %get3A_255 = tpu.vector_load %arg23[%get3A_254] {strides = array<i32>} : memref<64xi32, #tpu.memory_space<vmem>>, vector<16xi32>,
      %gather3A_256 = tpu.vector_load_idx %arg13[%get3A_251] : memref<10240xf32, #tpu.memory_space<vmem>>[vector<16xi32>], vector<16xf32>,
      %gather3A_257 = tpu.vector_load_idx %arg14[%get3A_255] : memref<408xf32, #tpu.memory_space<vmem>>[vector<16xi32>], vector<16xf32>,
      %add3A_258 = arith.addf %gather3A_256, %gather3A_257 : vector<16xf32>
      %abs3A_259 = math.absf %add3A_258 : vector<16xf32>
      %mul3A_260 = arith.constant 2.000000e+00 : f32
      %mul3A_261 = vector.broadcast %mul3A_260 : f32 to vector<16xf32>
      %mul3A_262 = arith.mulf %abs3A_259, %mul3A_261 : vector<16xf32>
      %exp3A_263 = math.exp %mul3A_262 : vector<16xf32>
      %add3A_264 = arith.constant 1.000000e+00 : f32
      %add3A_265 = vector.broadcast %add3A_264 : f32 to vector<16xf32>
      %add3A_266 = arith.addf %exp3A_263, %add3A_265 : vector<16xf32>
      %div3A_267 = arith.constant 2.000000e+00 : f32
      %div3A_268 = vector.broadcast %div3A_267 : f32 to vector<16xf32>
      %div3A_269 = arith.divf %div3A_268, %add3A_266 : vector<16xf32>
      %sub3A_270 = arith.constant 1.000000e+00 : f32
      %sub3A_271 = vector.broadcast %sub3A_270 : f32 to vector<16xf32>
      %sub3A_272 = arith.subf %sub3A_271, %div3A_269 : vector<16xf32>
      %lt3A_273 = arith.constant 0.000000e+00 : f32
      %lt3A_274 = vector.broadcast %lt3A_273 : f32 to vector<16xf32>
      %lt3A_275 = arith.cmpf olt, %add3A_258, %lt3A_274 : vector<16xf32>
      %neg3A_276 = arith.constant 0.000000e+00 : f32
      %neg3A_277 = vector.broadcast %neg3A_276 : f32 to vector<16xf32>
      %neg3A_278 = arith.subf %neg3A_277, %sub3A_272 : vector<16xf32>
      %select_n3A_279 = arith.select %lt3A_275, %neg3A_278, %sub3A_272 : vector<16xi1>, vector<16xf32>
      %exp3A_280 = math.exp %select_n3A_279 : vector<16xf32>
      %mul3A_281 = arith.constant 16 : i32
      %mul3A_282 = arith.muli %scan3A_247, %mul3A_281 : i32
      %swap3A_283 = arith.index_cast %mul3A_282 : i32 to index
      %swap3A_284 = tpu.vector_load %arg26[%swap3A_283] {strides = array<i32>} : memref<64xf32, #tpu.memory_space<vmem>>, vector<16xf32>,
      tpu.vector_store %arg26[%swap3A_283], %exp3A_280 {strides = array<i32>} : memref<64xf32, #tpu.memory_space<vmem>>, vector<16xf32>,
      %scan3A_285 = arith.constant 0 : i32
      %scan3A_286 = arith.constant 1 : i32
      %mul3A_287 = arith.constant 16 : i32
      %mul3A_288 = arith.muli %scan3A_286, %mul3A_287 : i32
      %get3A_289 = arith.index_cast %mul3A_288 : i32 to index
      %get3A_290 = tpu.vector_load %arg21[%get3A_289] {strides = array<i32>} : memref<64xi32, #tpu.memory_space<vmem>>, vector<16xi32>,
      %mul3A_291 = arith.constant 16 : i32
      %mul3A_292 = arith.muli %scan3A_286, %mul3A_291 : i32
      %get3A_293 = arith.index_cast %mul3A_292 : i32 to index
      %get3A_294 = tpu.vector_load %arg23[%get3A_293] {strides = array<i32>} : memref<64xi32, #tpu.memory_space<vmem>>, vector<16xi32>,
      %gather3A_295 = tpu.vector_load_idx %arg13[%get3A_290] : memref<10240xf32, #tpu.memory_space<vmem>>[vector<16xi32>], vector<16xf32>,
      %gather3A_296 = tpu.vector_load_idx %arg14[%get3A_294] : memref<408xf32, #tpu.memory_space<vmem>>[vector<16xi32>], vector<16xf32>,
      %add3A_297 = arith.addf %gather3A_295, %gather3A_296 : vector<16xf32>
      %abs3A_298 = math.absf %add3A_297 : vector<16xf32>
      %mul3A_299 = arith.constant 2.000000e+00 : f32
      %mul3A_300 = vector.broadcast %mul3A_299 : f32 to vector<16xf32>
      %mul3A_301 = arith.mulf %abs3A_298, %mul3A_300 : vector<16xf32>
      %exp3A_302 = math.exp %mul3A_301 : vector<16xf32>
      %add3A_303 = arith.constant 1.000000e+00 : f32
      %add3A_304 = vector.broadcast %add3A_303 : f32 to vector<16xf32>
      %add3A_305 = arith.addf %exp3A_302, %add3A_304 : vector<16xf32>
      %div3A_306 = arith.constant 2.000000e+00 : f32
      %div3A_307 = vector.broadcast %div3A_306 : f32 to vector<16xf32>
      %div3A_308 = arith.divf %div3A_307, %add3A_305 : vector<16xf32>
      %sub3A_309 = arith.constant 1.000000e+00 : f32
      %sub3A_310 = vector.broadcast %sub3A_309 : f32 to vector<16xf32>
      %sub3A_311 = arith.subf %sub3A_310, %div3A_308 : vector<16xf32>
      %lt3A_312 = arith.constant 0.000000e+00 : f32
      %lt3A_313 = vector.broadcast %lt3A_312 : f32 to vector<16xf32>
      %lt3A_314 = arith.cmpf olt, %add3A_297, %lt3A_313 : vector<16xf32>
      %neg3A_315 = arith.constant 0.000000e+00 : f32
      %neg3A_316 = vector.broadcast %neg3A_315 : f32 to vector<16xf32>
      %neg3A_317 = arith.subf %neg3A_316, %sub3A_311 : vector<16xf32>
      %select_n3A_318 = arith.select %lt3A_314, %neg3A_317, %sub3A_311 : vector<16xi1>, vector<16xf32>
      %exp3A_319 = math.exp %select_n3A_318 : vector<16xf32>
      %mul3A_320 = arith.constant 16 : i32
      %mul3A_321 = arith.muli %scan3A_286, %mul3A_320 : i32
      %swap3A_322 = arith.index_cast %mul3A_321 : i32 to index
      %swap3A_323 = tpu.vector_load %arg26[%swap3A_322] {strides = array<i32>} : memref<64xf32, #tpu.memory_space<vmem>>, vector<16xf32>,
      tpu.vector_store %arg26[%swap3A_322], %exp3A_319 {strides = array<i32>} : memref<64xf32, #tpu.memory_space<vmem>>, vector<16xf32>,
      %scan3A_324 = arith.constant 0 : i32
      %scan3A_325 = arith.constant 2 : i32
      %mul3A_326 = arith.constant 16 : i32
      %mul3A_327 = arith.muli %scan3A_325, %mul3A_326 : i32
      %get3A_328 = arith.index_cast %mul3A_327 : i32 to index
      %get3A_329 = tpu.vector_load %arg21[%get3A_328] {strides = array<i32>} : memref<64xi32, #tpu.memory_space<vmem>>, vector<16xi32>,
      %mul3A_330 = arith.constant 16 : i32
      %mul3A_331 = arith.muli %scan3A_325, %mul3A_330 : i32
      %get3A_332 = arith.index_cast %mul3A_331 : i32 to index
      %get3A_333 = tpu.vector_load %arg23[%get3A_332] {strides = array<i32>} : memref<64xi32, #tpu.memory_space<vmem>>, vector<16xi32>,
      %gather3A_334 = tpu.vector_load_idx %arg13[%get3A_329] : memref<10240xf32, #tpu.memory_space<vmem>>[vector<16xi32>], vector<16xf32>,
      %gather3A_335 = tpu.vector_load_idx %arg14[%get3A_333] : memref<408xf32, #tpu.memory_space<vmem>>[vector<16xi32>], vector<16xf32>,
      %add3A_336 = arith.addf %gather3A_334, %gather3A_335 : vector<16xf32>
      %abs3A_337 = math.absf %add3A_336 : vector<16xf32>
      %mul3A_338 = arith.constant 2.000000e+00 : f32
      %mul3A_339 = vector.broadcast %mul3A_338 : f32 to vector<16xf32>
      %mul3A_340 = arith.mulf %abs3A_337, %mul3A_339 : vector<16xf32>
      %exp3A_341 = math.exp %mul3A_340 : vector<16xf32>
      %add3A_342 = arith.constant 1.000000e+00 : f32
      %add3A_343 = vector.broadcast %add3A_342 : f32 to vector<16xf32>
      %add3A_344 = arith.addf %exp3A_341, %add3A_343 : vector<16xf32>
      %div3A_345 = arith.constant 2.000000e+00 : f32
      %div3A_346 = vector.broadcast %div3A_345 : f32 to vector<16xf32>
      %div3A_347 = arith.divf %div3A_346, %add3A_344 : vector<16xf32>
      %sub3A_348 = arith.constant 1.000000e+00 : f32
      %sub3A_349 = vector.broadcast %sub3A_348 : f32 to vector<16xf32>
      %sub3A_350 = arith.subf %sub3A_349, %div3A_347 : vector<16xf32>
      %lt3A_351 = arith.constant 0.000000e+00 : f32
      %lt3A_352 = vector.broadcast %lt3A_351 : f32 to vector<16xf32>
      %lt3A_353 = arith.cmpf olt, %add3A_336, %lt3A_352 : vector<16xf32>
      %neg3A_354 = arith.constant 0.000000e+00 : f32
      %neg3A_355 = vector.broadcast %neg3A_354 : f32 to vector<16xf32>
      %neg3A_356 = arith.subf %neg3A_355, %sub3A_350 : vector<16xf32>
      %select_n3A_357 = arith.select %lt3A_353, %neg3A_356, %sub3A_350 : vector<16xi1>, vector<16xf32>
      %exp3A_358 = math.exp %select_n3A_357 : vector<16xf32>
      %mul3A_359 = arith.constant 16 : i32
      %mul3A_360 = arith.muli %scan3A_325, %mul3A_359 : i32
      %swap3A_361 = arith.index_cast %mul3A_360 : i32 to index
      %swap3A_362 = tpu.vector_load %arg26[%swap3A_361] {strides = array<i32>} : memref<64xf32, #tpu.memory_space<vmem>>, vector<16xf32>,
      tpu.vector_store %arg26[%swap3A_361], %exp3A_358 {strides = array<i32>} : memref<64xf32, #tpu.memory_space<vmem>>, vector<16xf32>,
      %scan3A_363 = arith.constant 0 : i32
      %scan3A_364 = arith.constant 3 : i32
      %mul3A_365 = arith.constant 16 : i32
      %mul3A_366 = arith.muli %scan3A_364, %mul3A_365 : i32
      %get3A_367 = arith.index_cast %mul3A_366 : i32 to index
      %get3A_368 = tpu.vector_load %arg21[%get3A_367] {strides = array<i32>} : memref<64xi32, #tpu.memory_space<vmem>>, vector<16xi32>,
      %mul3A_369 = arith.constant 16 : i32
      %mul3A_370 = arith.muli %scan3A_364, %mul3A_369 : i32
      %get3A_371 = arith.index_cast %mul3A_370 : i32 to index
      %get3A_372 = tpu.vector_load %arg23[%get3A_371] {strides = array<i32>} : memref<64xi32, #tpu.memory_space<vmem>>, vector<16xi32>,
      %gather3A_373 = tpu.vector_load_idx %arg13[%get3A_368] : memref<10240xf32, #tpu.memory_space<vmem>>[vector<16xi32>], vector<16xf32>,
      %gather3A_374 = tpu.vector_load_idx %arg14[%get3A_372] : memref<408xf32, #tpu.memory_space<vmem>>[vector<16xi32>], vector<16xf32>,
      %add3A_375 = arith.addf %gather3A_373, %gather3A_374 : vector<16xf32>
      %abs3A_376 = math.absf %add3A_375 : vector<16xf32>
      %mul3A_377 = arith.constant 2.000000e+00 : f32
      %mul3A_378 = vector.broadcast %mul3A_377 : f32 to vector<16xf32>
      %mul3A_379 = arith.mulf %abs3A_376, %mul3A_378 : vector<16xf32>
      %exp3A_380 = math.exp %mul3A_379 : vector<16xf32>
      %add3A_381 = arith.constant 1.000000e+00 : f32
      %add3A_382 = vector.broadcast %add3A_381 : f32 to vector<16xf32>
      %add3A_383 = arith.addf %exp3A_380, %add3A_382 : vector<16xf32>
      %div3A_384 = arith.constant 2.000000e+00 : f32
      %div3A_385 = vector.broadcast %div3A_384 : f32 to vector<16xf32>
      %div3A_386 = arith.divf %div3A_385, %add3A_383 : vector<16xf32>
      %sub3A_387 = arith.constant 1.000000e+00 : f32
      %sub3A_388 = vector.broadcast %sub3A_387 : f32 to vector<16xf32>
      %sub3A_389 = arith.subf %sub3A_388, %div3A_386 : vector<16xf32>
      %lt3A_390 = arith.constant 0.000000e+00 : f32
      %lt3A_391 = vector.broadcast %lt3A_390 : f32 to vector<16xf32>
      %lt3A_392 = arith.cmpf olt, %add3A_375, %lt3A_391 : vector<16xf32>
      %neg3A_393 = arith.constant 0.000000e+00 : f32
      %neg3A_394 = vector.broadcast %neg3A_393 : f32 to vector<16xf32>
      %neg3A_395 = arith.subf %neg3A_394, %sub3A_389 : vector<16xf32>
      %select_n3A_396 = arith.select %lt3A_392, %neg3A_395, %sub3A_389 : vector<16xi1>, vector<16xf32>
      %exp3A_397 = math.exp %select_n3A_396 : vector<16xf32>
      %mul3A_398 = arith.constant 16 : i32
      %mul3A_399 = arith.muli %scan3A_364, %mul3A_398 : i32
      %swap3A_400 = arith.index_cast %mul3A_399 : i32 to index
      %swap3A_401 = tpu.vector_load %arg26[%swap3A_400] {strides = array<i32>} : memref<64xf32, #tpu.memory_space<vmem>>, vector<16xf32>,
      tpu.vector_store %arg26[%swap3A_400], %exp3A_397 {strides = array<i32>} : memref<64xf32, #tpu.memory_space<vmem>>, vector<16xf32>,
      %scan3A_402 = arith.constant 0 : i32
      %scan3A_403 = arith.constant 4 : i32
      %ge3A_404 = arith.constant 1 : i32
      %ge3A_405 = arith.cmpi sge, %add3A_245, %ge3A_404 : i32
      %convert_element_type3A_406 = arith.extui %ge3A_405 : i1 to i32
      %cond3A_407 = arith.constant 0 : i32
      %cond3A_408 = arith.cmpi ne, %convert_element_type3A_406, %cond3A_407 : i32
      scf.if %cond3A_408 {
        %dma_wait3A_442 = arith.constant 0 : i32
        %dma_wait3A_443 = arith.constant 0 : i32
        %dma_wait3A_444 = tpu.memref_slice %arg27[%dma_wait3A_442, %dma_wait3A_443] : memref<10240x128xf32, #tpu.memory_space<vmem_shared>> -> memref<10240x128xf32, #tpu.memory_space<vmem_shared>>
        tpu.wait_indirect_dma semaphore(%arg32 : memref<!tpu.dma_semaphore, #tpu.memory_space<semaphore_mem>>) src(%arg18 : memref<64x128xf32, #tpu.memory_space<vmem>>) dst(%dma_wait3A_444 : memref<10240x128xf32, #tpu.memory_space<vmem_shared>>)
        %dma_wait3A_445 = arith.constant 0 : i32
        %dma_wait3A_446 = tpu.memref_slice %arg28[%dma_wait3A_445] : memref<10240xf32, #tpu.memory_space<vmem_shared>> -> memref<10240xf32, #tpu.memory_space<vmem_shared>>
        tpu.wait_indirect_dma semaphore(%arg33 : memref<!tpu.dma_semaphore, #tpu.memory_space<semaphore_mem>>) src(%arg20 : memref<64xf32, #tpu.memory_space<vmem>>) dst(%dma_wait3A_446 : memref<10240xf32, #tpu.memory_space<vmem_shared>>)
      } else {
      }
      %add3A_409 = arith.constant 1 : i32
      %add3A_410 = arith.addi %add3A_245, %add3A_409 : i32
      %lt3A_411 = arith.constant 160 : i32
      %lt3A_412 = arith.cmpi slt, %add3A_410, %lt3A_411 : i32
      %convert_element_type3A_413 = arith.extui %lt3A_412 : i1 to i32
      %cond3A_414 = arith.constant 0 : i32
      %cond3A_415 = arith.cmpi ne, %convert_element_type3A_413, %cond3A_414 : i32
      scf.if %cond3A_415 {
        %add3A_442 = arith.constant 1 : i32
        %add3A_443 = arith.addi %add3A_245, %add3A_442 : i32
        %mul3A_444 = arith.constant 64 : i32
        %mul3A_445 = arith.muli %add3A_443, %mul3A_444 : i32
        %add3A_446 = arith.addi %mul3A_8, %mul3A_445 : i32
        %dma_start3A_447 = tpu.memref_slice %arg2[%add3A_446] : memref<327680xi32, #tpu.memory_space<hbm>> -> memref<64xi32, #tpu.memory_space<hbm>>
        %dma_start3A_448 = tpu.memref_slice %arg2[%add3A_446] : memref<327680xi32, #tpu.memory_space<hbm>> -> memref<64xi32, #tpu.memory_space<hbm>>
        tpu.enqueue_dma source(%dma_start3A_448 : memref<64xi32, #tpu.memory_space<hbm>>) target(%arg15 : memref<64xi32, #tpu.memory_space<vmem>>) target_semaphore(%arg29 : memref<!tpu.dma_semaphore, #tpu.memory_space<semaphore_mem>>)
        %dma_start3A_449 = tpu.memref_slice %arg3[%add3A_446] : memref<327680xi32, #tpu.memory_space<hbm>> -> memref<64xi32, #tpu.memory_space<hbm>>
        %dma_start3A_450 = tpu.memref_slice %arg3[%add3A_446] : memref<327680xi32, #tpu.memory_space<hbm>> -> memref<64xi32, #tpu.memory_space<hbm>>
        tpu.enqueue_dma source(%dma_start3A_450 : memref<64xi32, #tpu.memory_space<hbm>>) target(%arg16 : memref<64xi32, #tpu.memory_space<vmem>>) target_semaphore(%arg29 : memref<!tpu.dma_semaphore, #tpu.memory_space<semaphore_mem>>)
        %dma_start3A_451 = tpu.memref_slice %arg4[%add3A_446] : memref<327680xi32, #tpu.memory_space<hbm>> -> memref<64xi32, #tpu.memory_space<hbm>>
        %dma_start3A_452 = tpu.memref_slice %arg4[%add3A_446] : memref<327680xi32, #tpu.memory_space<hbm>> -> memref<64xi32, #tpu.memory_space<hbm>>
        tpu.enqueue_dma source(%dma_start3A_452 : memref<64xi32, #tpu.memory_space<hbm>>) target(%arg17 : memref<64xi32, #tpu.memory_space<vmem>>) target_semaphore(%arg29 : memref<!tpu.dma_semaphore, #tpu.memory_space<semaphore_mem>>)
      } else {
      }
      %dma_wait3A_416 = arith.constant 0 : i32
      %dma_wait3A_417 = arith.constant 0 : i32
      %dma_wait3A_418 = tpu.memref_slice %arg5[%dma_wait3A_416, %dma_wait3A_417] : memref<10240x128xf32, #tpu.memory_space<hbm>> -> memref<10240x128xf32, #tpu.memory_space<hbm>>
      tpu.wait_indirect_dma semaphore(%arg35 : memref<!tpu.dma_semaphore, #tpu.memory_space<semaphore_mem>>) src(%dma_wait3A_418 : memref<10240x128xf32, #tpu.memory_space<hbm>>) dst(%arg24 : memref<64x128xf32, #tpu.memory_space<vmem>>)
      %dma_wait3A_419 = arith.constant 0 : i32
      %dma_wait3A_420 = arith.constant 0 : i32
      %dma_wait3A_421 = tpu.memref_slice %arg6[%dma_wait3A_419, %dma_wait3A_420] : memref<408x128xf32, #tpu.memory_space<hbm>> -> memref<408x128xf32, #tpu.memory_space<hbm>>
      tpu.wait_indirect_dma semaphore(%arg36 : memref<!tpu.dma_semaphore, #tpu.memory_space<semaphore_mem>>) src(%dma_wait3A_421 : memref<408x128xf32, #tpu.memory_space<hbm>>) dst(%arg25 : memref<64x128xf32, #tpu.memory_space<vmem>>)
      %add3A_422 = arith.constant 1 : i32
      %add3A_423 = arith.addi %add3A_245, %add3A_422 : i32
      %lt3A_424 = arith.constant 160 : i32
      %lt3A_425 = arith.cmpi slt, %add3A_423, %lt3A_424 : i32
      %convert_element_type3A_426 = arith.extui %lt3A_425 : i1 to i32
      %cond3A_427 = arith.constant 0 : i32
      %cond3A_428 = arith.cmpi ne, %convert_element_type3A_426, %cond3A_427 : i32
      scf.if %cond3A_428 {
        %dma_wait3A_442 = arith.constant 0 : i32
        %dma_wait3A_443 = tpu.memref_slice %arg2[%dma_wait3A_442] : memref<327680xi32, #tpu.memory_space<hbm>> -> memref<64xi32, #tpu.memory_space<hbm>>
        %dma_wait3A_444 = arith.constant 0 : i32
        %dma_wait3A_445 = tpu.memref_slice %arg2[%dma_wait3A_444] : memref<327680xi32, #tpu.memory_space<hbm>> -> memref<64xi32, #tpu.memory_space<hbm>>
        tpu.wait_dma2 semaphore(%arg29 : memref<!tpu.dma_semaphore, #tpu.memory_space<semaphore_mem>>) src(%dma_wait3A_445 : memref<64xi32, #tpu.memory_space<hbm>>) dst(%arg15 : memref<64xi32, #tpu.memory_space<vmem>>)
        %dma_wait3A_446 = arith.constant 0 : i32
        %dma_wait3A_447 = tpu.memref_slice %arg2[%dma_wait3A_446] : memref<327680xi32, #tpu.memory_space<hbm>> -> memref<64xi32, #tpu.memory_space<hbm>>
        %dma_wait3A_448 = arith.constant 0 : i32
        %dma_wait3A_449 = tpu.memref_slice %arg2[%dma_wait3A_448] : memref<327680xi32, #tpu.memory_space<hbm>> -> memref<64xi32, #tpu.memory_space<hbm>>
        tpu.wait_dma2 semaphore(%arg29 : memref<!tpu.dma_semaphore, #tpu.memory_space<semaphore_mem>>) src(%dma_wait3A_449 : memref<64xi32, #tpu.memory_space<hbm>>) dst(%arg16 : memref<64xi32, #tpu.memory_space<vmem>>)
        %dma_wait3A_450 = arith.constant 0 : i32
        %dma_wait3A_451 = tpu.memref_slice %arg2[%dma_wait3A_450] : memref<327680xi32, #tpu.memory_space<hbm>> -> memref<64xi32, #tpu.memory_space<hbm>>
        %dma_wait3A_452 = arith.constant 0 : i32
        %dma_wait3A_453 = tpu.memref_slice %arg2[%dma_wait3A_452] : memref<327680xi32, #tpu.memory_space<hbm>> -> memref<64xi32, #tpu.memory_space<hbm>>
        tpu.wait_dma2 semaphore(%arg29 : memref<!tpu.dma_semaphore, #tpu.memory_space<semaphore_mem>>) src(%dma_wait3A_453 : memref<64xi32, #tpu.memory_space<hbm>>) dst(%arg17 : memref<64xi32, #tpu.memory_space<vmem>>)
        %dma_start3A_454 = arith.constant 0 : i32
        %dma_start3A_455 = arith.constant 0 : i32
        %dma_start3A_456 = tpu.memref_slice %arg5[%dma_start3A_454, %dma_start3A_455] : memref<10240x128xf32, #tpu.memory_space<hbm>> -> memref<10240x128xf32, #tpu.memory_space<hbm>>
        tpu.enqueue_indirect_dma source(%dma_start3A_456 : memref<10240x128xf32, #tpu.memory_space<hbm>>) target(%arg18 : memref<64x128xf32, #tpu.memory_space<vmem>>) offsets(%arg15 : memref<64xi32, #tpu.memory_space<vmem>>) semaphore(%arg30 : memref<!tpu.dma_semaphore, #tpu.memory_space<semaphore_mem>>)
        %dma_start3A_457 = arith.constant 0 : i32
        %dma_start3A_458 = arith.constant 0 : i32
        %dma_start3A_459 = tpu.memref_slice %arg6[%dma_start3A_457, %dma_start3A_458] : memref<408x128xf32, #tpu.memory_space<hbm>> -> memref<408x128xf32, #tpu.memory_space<hbm>>
        tpu.enqueue_indirect_dma source(%dma_start3A_459 : memref<408x128xf32, #tpu.memory_space<hbm>>) target(%arg19 : memref<64x128xf32, #tpu.memory_space<vmem>>) offsets(%arg17 : memref<64xi32, #tpu.memory_space<vmem>>) semaphore(%arg31 : memref<!tpu.dma_semaphore, #tpu.memory_space<semaphore_mem>>)
      } else {
      }
      %scan3A_429 = arith.constant 0 : i32
      %scan3A_430 = arith.constant 0 : i32
      %scan3A_431 = arith.constant 64 : i32
      %scan3A_432 = arith.addi %scan3A_430, %scan3A_431 : i32
      %scan3A_433 = arith.constant 1 : i32
      %scan3A_434 = scf.for %scan3A_442 = %scan3A_430 to %scan3A_432 step %scan3A_433 iter_args(%scan3A_443 = %scan3A_429) -> (i32)  : i32 {
        %broadcast_in_dim3A = vector.broadcast %scan3A_442 : i32 to vector<16xi32>
        %gather3A_444 = tpu.vector_load_idx %arg26[%broadcast_in_dim3A] : memref<64xf32, #tpu.memory_space<vmem>>[vector<16xi32>], vector<16xf32>,
        %get3A_445 = arith.index_cast %scan3A_442 : i32 to index
        %get3A_446 = arith.constant 0 : index
        %get3A_447 = tpu.vector_load %arg24[%get3A_445, %get3A_446] {strides = array<i32>} : memref<64x128xf32, #tpu.memory_space<vmem>>, vector<16xf32>,
        %get3A_448 = arith.index_cast %scan3A_442 : i32 to index
        %get3A_449 = arith.constant 0 : index
        %get3A_450 = tpu.vector_load %arg25[%get3A_448, %get3A_449] {strides = array<i32>} : memref<64x128xf32, #tpu.memory_space<vmem>>, vector<16xf32>,
        %add3A_451 = arith.addf %get3A_447, %get3A_450 : vector<16xf32>
        %mul3A_452 = arith.mulf %gather3A_444, %add3A_451 : vector<16xf32>
        %swap3A_453 = arith.index_cast %scan3A_442 : i32 to index
        %swap3A_454 = arith.constant 0 : index
        %swap3A_455 = tpu.vector_load %arg24[%swap3A_453, %swap3A_454] {strides = array<i32>} : memref<64x128xf32, #tpu.memory_space<vmem>>, vector<16xf32>,
        tpu.vector_store %arg24[%swap3A_453, %swap3A_454], %mul3A_452 {strides = array<i32>} : memref<64x128xf32, #tpu.memory_space<vmem>>, vector<16xf32>,
        %get3A_456 = arith.index_cast %scan3A_442 : i32 to index
        %get3A_457 = arith.constant 16 : index
        %get3A_458 = tpu.vector_load %arg24[%get3A_456, %get3A_457] {strides = array<i32>} : memref<64x128xf32, #tpu.memory_space<vmem>>, vector<16xf32>,
        %get3A_459 = arith.index_cast %scan3A_442 : i32 to index
        %get3A_460 = arith.constant 16 : index
        %get3A_461 = tpu.vector_load %arg25[%get3A_459, %get3A_460] {strides = array<i32>} : memref<64x128xf32, #tpu.memory_space<vmem>>, vector<16xf32>,
        %add3A_462 = arith.addf %get3A_458, %get3A_461 : vector<16xf32>
        %mul3A_463 = arith.mulf %gather3A_444, %add3A_462 : vector<16xf32>
        %swap3A_464 = arith.index_cast %scan3A_442 : i32 to index
        %swap3A_465 = arith.constant 16 : index
        %swap3A_466 = tpu.vector_load %arg24[%swap3A_464, %swap3A_465] {strides = array<i32>} : memref<64x128xf32, #tpu.memory_space<vmem>>, vector<16xf32>,
        tpu.vector_store %arg24[%swap3A_464, %swap3A_465], %mul3A_463 {strides = array<i32>} : memref<64x128xf32, #tpu.memory_space<vmem>>, vector<16xf32>,
        %get3A_467 = arith.index_cast %scan3A_442 : i32 to index
        %get3A_468 = arith.constant 32 : index
        %get3A_469 = tpu.vector_load %arg24[%get3A_467, %get3A_468] {strides = array<i32>} : memref<64x128xf32, #tpu.memory_space<vmem>>, vector<16xf32>,
        %get3A_470 = arith.index_cast %scan3A_442 : i32 to index
        %get3A_471 = arith.constant 32 : index
        %get3A_472 = tpu.vector_load %arg25[%get3A_470, %get3A_471] {strides = array<i32>} : memref<64x128xf32, #tpu.memory_space<vmem>>, vector<16xf32>,
        %add3A_473 = arith.addf %get3A_469, %get3A_472 : vector<16xf32>
        %mul3A_474 = arith.mulf %gather3A_444, %add3A_473 : vector<16xf32>
        %swap3A_475 = arith.index_cast %scan3A_442 : i32 to index
        %swap3A_476 = arith.constant 32 : index
        %swap3A_477 = tpu.vector_load %arg24[%swap3A_475, %swap3A_476] {strides = array<i32>} : memref<64x128xf32, #tpu.memory_space<vmem>>, vector<16xf32>,
        tpu.vector_store %arg24[%swap3A_475, %swap3A_476], %mul3A_474 {strides = array<i32>} : memref<64x128xf32, #tpu.memory_space<vmem>>, vector<16xf32>,
        %get3A_478 = arith.index_cast %scan3A_442 : i32 to index
        %get3A_479 = arith.constant 48 : index
        %get3A_480 = tpu.vector_load %arg24[%get3A_478, %get3A_479] {strides = array<i32>} : memref<64x128xf32, #tpu.memory_space<vmem>>, vector<16xf32>,
        %get3A_481 = arith.index_cast %scan3A_442 : i32 to index
        %get3A_482 = arith.constant 48 : index
        %get3A_483 = tpu.vector_load %arg25[%get3A_481, %get3A_482] {strides = array<i32>} : memref<64x128xf32, #tpu.memory_space<vmem>>, vector<16xf32>,
        %add3A_484 = arith.addf %get3A_480, %get3A_483 : vector<16xf32>
        %mul3A_485 = arith.mulf %gather3A_444, %add3A_484 : vector<16xf32>
        %swap3A_486 = arith.index_cast %scan3A_442 : i32 to index
        %swap3A_487 = arith.constant 48 : index
        %swap3A_488 = tpu.vector_load %arg24[%swap3A_486, %swap3A_487] {strides = array<i32>} : memref<64x128xf32, #tpu.memory_space<vmem>>, vector<16xf32>,
        tpu.vector_store %arg24[%swap3A_486, %swap3A_487], %mul3A_485 {strides = array<i32>} : memref<64x128xf32, #tpu.memory_space<vmem>>, vector<16xf32>,
        %get3A_489 = arith.index_cast %scan3A_442 : i32 to index
        %get3A_490 = arith.constant 64 : index
        %get3A_491 = tpu.vector_load %arg24[%get3A_489, %get3A_490] {strides = array<i32>} : memref<64x128xf32, #tpu.memory_space<vmem>>, vector<16xf32>,
        %get3A_492 = arith.index_cast %scan3A_442 : i32 to index
        %get3A_493 = arith.constant 64 : index
        %get3A_494 = tpu.vector_load %arg25[%get3A_492, %get3A_493] {strides = array<i32>} : memref<64x128xf32, #tpu.memory_space<vmem>>, vector<16xf32>,
        %add3A_495 = arith.addf %get3A_491, %get3A_494 : vector<16xf32>
        %mul3A_496 = arith.mulf %gather3A_444, %add3A_495 : vector<16xf32>
        %swap3A_497 = arith.index_cast %scan3A_442 : i32 to index
        %swap3A_498 = arith.constant 64 : index
        %swap3A_499 = tpu.vector_load %arg24[%swap3A_497, %swap3A_498] {strides = array<i32>} : memref<64x128xf32, #tpu.memory_space<vmem>>, vector<16xf32>,
        tpu.vector_store %arg24[%swap3A_497, %swap3A_498], %mul3A_496 {strides = array<i32>} : memref<64x128xf32, #tpu.memory_space<vmem>>, vector<16xf32>,
        %get3A_500 = arith.index_cast %scan3A_442 : i32 to index
        %get3A_501 = arith.constant 80 : index
        %get3A_502 = tpu.vector_load %arg24[%get3A_500, %get3A_501] {strides = array<i32>} : memref<64x128xf32, #tpu.memory_space<vmem>>, vector<16xf32>,
        %get3A_503 = arith.index_cast %scan3A_442 : i32 to index
        %get3A_504 = arith.constant 80 : index
        %get3A_505 = tpu.vector_load %arg25[%get3A_503, %get3A_504] {strides = array<i32>} : memref<64x128xf32, #tpu.memory_space<vmem>>, vector<16xf32>,
        %add3A_506 = arith.addf %get3A_502, %get3A_505 : vector<16xf32>
        %mul3A_507 = arith.mulf %gather3A_444, %add3A_506 : vector<16xf32>
        %swap3A_508 = arith.index_cast %scan3A_442 : i32 to index
        %swap3A_509 = arith.constant 80 : index
        %swap3A_510 = tpu.vector_load %arg24[%swap3A_508, %swap3A_509] {strides = array<i32>} : memref<64x128xf32, #tpu.memory_space<vmem>>, vector<16xf32>,
        tpu.vector_store %arg24[%swap3A_508, %swap3A_509], %mul3A_507 {strides = array<i32>} : memref<64x128xf32, #tpu.memory_space<vmem>>, vector<16xf32>,
        %get3A_511 = arith.index_cast %scan3A_442 : i32 to index
        %get3A_512 = arith.constant 96 : index
        %get3A_513 = tpu.vector_load %arg24[%get3A_511, %get3A_512] {strides = array<i32>} : memref<64x128xf32, #tpu.memory_space<vmem>>, vector<16xf32>,
        %get3A_514 = arith.index_cast %scan3A_442 : i32 to index
        %get3A_515 = arith.constant 96 : index
        %get3A_516 = tpu.vector_load %arg25[%get3A_514, %get3A_515] {strides = array<i32>} : memref<64x128xf32, #tpu.memory_space<vmem>>, vector<16xf32>,
        %add3A_517 = arith.addf %get3A_513, %get3A_516 : vector<16xf32>
        %mul3A_518 = arith.mulf %gather3A_444, %add3A_517 : vector<16xf32>
        %swap3A_519 = arith.index_cast %scan3A_442 : i32 to index
        %swap3A_520 = arith.constant 96 : index
        %swap3A_521 = tpu.vector_load %arg24[%swap3A_519, %swap3A_520] {strides = array<i32>} : memref<64x128xf32, #tpu.memory_space<vmem>>, vector<16xf32>,
        tpu.vector_store %arg24[%swap3A_519, %swap3A_520], %mul3A_518 {strides = array<i32>} : memref<64x128xf32, #tpu.memory_space<vmem>>, vector<16xf32>,
        %get3A_522 = arith.index_cast %scan3A_442 : i32 to index
        %get3A_523 = arith.constant 112 : index
        %get3A_524 = tpu.vector_load %arg24[%get3A_522, %get3A_523] {strides = array<i32>} : memref<64x128xf32, #tpu.memory_space<vmem>>, vector<16xf32>,
        %get3A_525 = arith.index_cast %scan3A_442 : i32 to index
        %get3A_526 = arith.constant 112 : index
        %get3A_527 = tpu.vector_load %arg25[%get3A_525, %get3A_526] {strides = array<i32>} : memref<64x128xf32, #tpu.memory_space<vmem>>, vector<16xf32>,
        %add3A_528 = arith.addf %get3A_524, %get3A_527 : vector<16xf32>
        %mul3A_529 = arith.mulf %gather3A_444, %add3A_528 : vector<16xf32>
        %swap3A_530 = arith.index_cast %scan3A_442 : i32 to index
        %swap3A_531 = arith.constant 112 : index
        %swap3A_532 = tpu.vector_load %arg24[%swap3A_530, %swap3A_531] {strides = array<i32>} : memref<64x128xf32, #tpu.memory_space<vmem>>, vector<16xf32>,
        tpu.vector_store %arg24[%swap3A_530, %swap3A_531], %mul3A_529 {strides = array<i32>} : memref<64x128xf32, #tpu.memory_space<vmem>>, vector<16xf32>,
        %scan3A_533 = arith.constant 0 : i32
        scf.yield %scan3A_533 : i32
      }
      %scan3A_435 = arith.constant 64 : i32
      %dma_start3A_436 = arith.constant 0 : i32
      %dma_start3A_437 = arith.constant 0 : i32
      %dma_start3A_438 = tpu.memref_slice %arg27[%dma_start3A_436, %dma_start3A_437] : memref<10240x128xf32, #tpu.memory_space<vmem_shared>> -> memref<10240x128xf32, #tpu.memory_space<vmem_shared>>
      tpu.enqueue_indirect_dma source(%arg24 : memref<64x128xf32, #tpu.memory_space<vmem>>) target(%dma_start3A_438 : memref<10240x128xf32, #tpu.memory_space<vmem_shared>>) offsets(%arg22 : memref<64xi32, #tpu.memory_space<vmem>>) semaphore(%arg37 : memref<!tpu.dma_semaphore, #tpu.memory_space<semaphore_mem>>) {add = true}
      %dma_start3A_439 = arith.constant 0 : i32
      %dma_start3A_440 = tpu.memref_slice %arg28[%dma_start3A_439] : memref<10240xf32, #tpu.memory_space<vmem_shared>> -> memref<10240xf32, #tpu.memory_space<vmem_shared>>
      tpu.enqueue_indirect_dma source(%arg26 : memref<64xf32, #tpu.memory_space<vmem>>) target(%dma_start3A_440 : memref<10240xf32, #tpu.memory_space<vmem_shared>>) offsets(%arg22 : memref<64xi32, #tpu.memory_space<vmem>>) semaphore(%arg38 : memref<!tpu.dma_semaphore, #tpu.memory_space<semaphore_mem>>) {add = true}
      %scan3A_441 = arith.constant 0 : i32
      scf.yield %scan3A_441 : i32
    }
    %scan3A_38 = arith.constant 80 : i32
    %dma_wait3A_39 = arith.constant 0 : i32
    %dma_wait3A_40 = arith.constant 0 : i32
    %dma_wait3A_41 = tpu.memref_slice %arg27[%dma_wait3A_39, %dma_wait3A_40] : memref<10240x128xf32, #tpu.memory_space<vmem_shared>> -> memref<10240x128xf32, #tpu.memory_space<vmem_shared>>
    tpu.wait_indirect_dma semaphore(%arg37 : memref<!tpu.dma_semaphore, #tpu.memory_space<semaphore_mem>>) src(%arg24 : memref<64x128xf32, #tpu.memory_space<vmem>>) dst(%dma_wait3A_41 : memref<10240x128xf32, #tpu.memory_space<vmem_shared>>)
    %dma_wait3A_42 = arith.constant 0 : i32
    %dma_wait3A_43 = tpu.memref_slice %arg28[%dma_wait3A_42] : memref<10240xf32, #tpu.memory_space<vmem_shared>> -> memref<10240xf32, #tpu.memory_space<vmem_shared>>
    tpu.wait_indirect_dma semaphore(%arg38 : memref<!tpu.dma_semaphore, #tpu.memory_space<semaphore_mem>>) src(%arg26 : memref<64xf32, #tpu.memory_space<vmem>>) dst(%dma_wait3A_43 : memref<10240xf32, #tpu.memory_space<vmem_shared>>)
    %barrier3A_44 = arith.constant 0 : index
    tpu.barrier barrier_id(%barrier3A_44)
    %mul3A_45 = arith.constant 640 : i32
    %mul3A_46 = arith.muli %arg1, %mul3A_45 : i32
    %mul3A_47 = arith.constant 640 : i32
    %mul3A_48 = arith.muli %arg1, %mul3A_47 : i32
    "tpu.region"() ({
      %run_scoped3A = tpu.sem_alloc : memref<!tpu.dma_semaphore, #tpu.memory_space<semaphore_mem>>
      %dma_start3A_54 = arith.constant 0 : i32
      %dma_start3A_55 = tpu.memref_slice %arg11[%arg0, %mul3A_48, %dma_start3A_54] : memref<2x10240x128xf32, #tpu.memory_space<hbm>> -> memref<1x640x128xf32, #tpu.memory_space<hbm>>
      %dma_start3A_56 = tpu.memref_squeeze %dma_start3A_55 : memref<1x640x128xf32, #tpu.memory_space<hbm>> -> memref<640x128xf32, #tpu.memory_space<hbm>>
      %dma_start3A_57 = arith.constant 0 : i32
      %dma_start3A_58 = tpu.memref_slice %arg27[%mul3A_46, %dma_start3A_57] : memref<10240x128xf32, #tpu.memory_space<vmem_shared>> -> memref<640x128xf32, #tpu.memory_space<vmem_shared>>
      tpu.enqueue_dma source(%dma_start3A_58 : memref<640x128xf32, #tpu.memory_space<vmem_shared>>) target(%dma_start3A_56 : memref<640x128xf32, #tpu.memory_space<hbm>>) target_semaphore(%run_scoped3A : memref<!tpu.dma_semaphore, #tpu.memory_space<semaphore_mem>>)
      %dma_wait3A_59 = arith.constant 0 : i32
      %dma_wait3A_60 = tpu.memref_slice %arg11[%arg0, %mul3A_48, %dma_wait3A_59] : memref<2x10240x128xf32, #tpu.memory_space<hbm>> -> memref<1x640x128xf32, #tpu.memory_space<hbm>>
      %dma_wait3A_61 = tpu.memref_squeeze %dma_wait3A_60 : memref<1x640x128xf32, #tpu.memory_space<hbm>> -> memref<640x128xf32, #tpu.memory_space<hbm>>
      %dma_wait3A_62 = arith.constant 0 : i32
      %dma_wait3A_63 = tpu.memref_slice %arg27[%mul3A_46, %dma_wait3A_62] : memref<10240x128xf32, #tpu.memory_space<vmem_shared>> -> memref<640x128xf32, #tpu.memory_space<vmem_shared>>
      tpu.wait_dma2 semaphore(%run_scoped3A : memref<!tpu.dma_semaphore, #tpu.memory_space<semaphore_mem>>) src(%dma_wait3A_63 : memref<640x128xf32, #tpu.memory_space<vmem_shared>>) dst(%dma_wait3A_61 : memref<640x128xf32, #tpu.memory_space<hbm>>)
      tpu.yield
    }) : () -> ()
    %eq3A_49 = arith.constant 0 : i32
    %eq3A_50 = arith.cmpi eq, %arg1, %eq3A_49 : i32
    %convert_element_type3A_51 = arith.extui %eq3A_50 : i1 to i32
    %cond3A_52 = arith.constant 0 : i32
    %cond3A_53 = arith.cmpi ne, %convert_element_type3A_51, %cond3A_52 : i32
    scf.if %cond3A_53 {
      "tpu.region"() ({
        %run_scoped3A = tpu.sem_alloc : memref<!tpu.dma_semaphore, #tpu.memory_space<semaphore_mem>>
        %dma_start3A_54 = arith.constant 0 : i32
        %dma_start3A_55 = tpu.memref_slice %arg12[%arg0, %dma_start3A_54] : memref<2x10240xf32, #tpu.memory_space<hbm>> -> memref<1x10240xf32, #tpu.memory_space<hbm>>
        %dma_start3A_56 = tpu.memref_squeeze %dma_start3A_55 : memref<1x10240xf32, #tpu.memory_space<hbm>> -> memref<10240xf32, #tpu.memory_space<hbm>>
        tpu.enqueue_dma source(%arg28 : memref<10240xf32, #tpu.memory_space<vmem_shared>>) target(%dma_start3A_56 : memref<10240xf32, #tpu.memory_space<hbm>>) target_semaphore(%run_scoped3A : memref<!tpu.dma_semaphore, #tpu.memory_space<semaphore_mem>>)
        %dma_wait3A_57 = arith.constant 0 : i32
        %dma_wait3A_58 = tpu.memref_slice %arg12[%arg0, %dma_wait3A_57] : memref<2x10240xf32, #tpu.memory_space<hbm>> -> memref<1x10240xf32, #tpu.memory_space<hbm>>
        %dma_wait3A_59 = tpu.memref_squeeze %dma_wait3A_58 : memref<1x10240xf32, #tpu.memory_space<hbm>> -> memref<10240xf32, #tpu.memory_space<hbm>>
        tpu.wait_dma2 semaphore(%run_scoped3A : memref<!tpu.dma_semaphore, #tpu.memory_space<semaphore_mem>>) src(%arg28 : memref<10240xf32, #tpu.memory_space<vmem_shared>>) dst(%dma_wait3A_59 : memref<10240xf32, #tpu.memory_space<hbm>>)
        tpu.yield
      }) : () -> ()
    } else {
    }
    return
  }
}

module attributes {stable_mosaic.version = 14 : i64} {
  func.func @_lstm_body(%arg0: memref<16x128xf32, #tpu.memory_space<vmem>>, %arg1: memref<512x128xf32, #tpu.memory_space<vmem>>, %arg2: memref<512x128xf32, #tpu.memory_space<vmem>>, %arg3: memref<1x512xf32, #tpu.memory_space<vmem>>, %arg4: memref<1x128xf32, #tpu.memory_space<vmem>>) attributes {dimension_semantics = [], scalar_prefetch = 0 : i64, scratch_operands = 0 : i64, tpu.core_type = #tpu.core_type<tc>} {
    %broadcast_in_dim3A = arith.constant 0.000000e+00 : f32
    %broadcast_in_dim3A_0 = vector.broadcast %broadcast_in_dim3A : f32 to vector<1x128xf32>
    %scan3A = arith.constant 0 : i32
    %scan3A_1 = arith.constant 16 : i32
    %scan3A_2 = arith.addi %scan3A, %scan3A_1 : i32
    %scan3A_3 = arith.constant 1 : i32
    %scan3A_4:2 = scf.for %scan3A_8 = %scan3A to %scan3A_2 step %scan3A_3 iter_args(%scan3A_9 = %broadcast_in_dim3A_0, %scan3A_10 = %broadcast_in_dim3A_0) -> (vector<1x128xf32>, vector<1x128xf32>)  : i32 {
      %get3A = arith.index_cast %scan3A_8 : i32 to index
      %get3A_11 = arith.constant 0 : index
      %get3A_12 = vector.load %arg0[%get3A, %get3A_11] : memref<16x128xf32, #tpu.memory_space<vmem>>, vector<1x128xf32>
      %get3A_13 = arith.constant 0 : index
      %get3A_14 = arith.constant 0 : index
      %get3A_15 = vector.load %arg1[%get3A_13, %get3A_14] : memref<512x128xf32, #tpu.memory_space<vmem>>, vector<512x128xf32>
      %dot_general3A = arith.constant dense<0.000000e+00> : vector<1x512xf32>
      %dot_general3A_16 = tpu.matmul %get3A_12, %get3A_15, %dot_general3A {dimension_numbers = #tpu.dot_dimension_numbers<[1], [1], [0], [0], [0, 0, 1, 0], [], []>, transpose_lhs_hint = false} : vector<1x128xf32>, vector<512x128xf32>, vector<1x512xf32> -> vector<1x512xf32>
      %get3A_17 = arith.constant 0 : index
      %get3A_18 = arith.constant 0 : index
      %get3A_19 = vector.load %arg2[%get3A_17, %get3A_18] : memref<512x128xf32, #tpu.memory_space<vmem>>, vector<512x128xf32>
      %dot_general3A_20 = arith.constant dense<0.000000e+00> : vector<1x512xf32>
      %dot_general3A_21 = tpu.matmul %scan3A_9, %get3A_19, %dot_general3A_20 {dimension_numbers = #tpu.dot_dimension_numbers<[1], [1], [0], [0], [0, 0, 1, 0], [], []>, transpose_lhs_hint = false} : vector<1x128xf32>, vector<512x128xf32>, vector<1x512xf32> -> vector<1x512xf32>
      %add3A = arith.addf %dot_general3A_16, %dot_general3A_21 : vector<1x512xf32>
      %get3A_22 = arith.constant 0 : index
      %get3A_23 = arith.constant 0 : index
      %get3A_24 = vector.load %arg3[%get3A_22, %get3A_23] : memref<1x512xf32, #tpu.memory_space<vmem>>, vector<1x512xf32>
      %add3A_25 = arith.addf %add3A, %get3A_24 : vector<1x512xf32>
      %slice3A = vector.extract_strided_slice %add3A_25 {offsets = [0, 0], sizes = [1, 128], strides = [1, 1]} : vector<1x512xf32> to vector<1x128xf32>
      %logistic3A = arith.negf %slice3A : vector<1x128xf32>
      %logistic3A_26 = math.exp %logistic3A : vector<1x128xf32>
      %logistic3A_27 = arith.constant 1.000000e+00 : f32
      %logistic3A_28 = vector.broadcast %logistic3A_27 : f32 to vector<1x128xf32>
      %logistic3A_29 = arith.addf %logistic3A_28, %logistic3A_26 : vector<1x128xf32>
      %logistic3A_30 = arith.divf %logistic3A_28, %logistic3A_29 : vector<1x128xf32>
      %slice3A_31 = vector.extract_strided_slice %add3A_25 {offsets = [0, 128], sizes = [1, 128], strides = [1, 1]} : vector<1x512xf32> to vector<1x128xf32>
      %logistic3A_32 = arith.negf %slice3A_31 : vector<1x128xf32>
      %logistic3A_33 = math.exp %logistic3A_32 : vector<1x128xf32>
      %logistic3A_34 = arith.constant 1.000000e+00 : f32
      %logistic3A_35 = vector.broadcast %logistic3A_34 : f32 to vector<1x128xf32>
      %logistic3A_36 = arith.addf %logistic3A_35, %logistic3A_33 : vector<1x128xf32>
      %logistic3A_37 = arith.divf %logistic3A_35, %logistic3A_36 : vector<1x128xf32>
      %slice3A_38 = vector.extract_strided_slice %add3A_25 {offsets = [0, 256], sizes = [1, 128], strides = [1, 1]} : vector<1x512xf32> to vector<1x128xf32>
      %tanh3A = math.tanh %slice3A_38 : vector<1x128xf32>
      %slice3A_39 = vector.extract_strided_slice %add3A_25 {offsets = [0, 384], sizes = [1, 128], strides = [1, 1]} : vector<1x512xf32> to vector<1x128xf32>
      %logistic3A_40 = arith.negf %slice3A_39 : vector<1x128xf32>
      %logistic3A_41 = math.exp %logistic3A_40 : vector<1x128xf32>
      %logistic3A_42 = arith.constant 1.000000e+00 : f32
      %logistic3A_43 = vector.broadcast %logistic3A_42 : f32 to vector<1x128xf32>
      %logistic3A_44 = arith.addf %logistic3A_43, %logistic3A_41 : vector<1x128xf32>
      %logistic3A_45 = arith.divf %logistic3A_43, %logistic3A_44 : vector<1x128xf32>
      %mul3A = arith.mulf %logistic3A_37, %scan3A_10 : vector<1x128xf32>
      %mul3A_46 = arith.mulf %logistic3A_30, %tanh3A : vector<1x128xf32>
      %add3A_47 = arith.addf %mul3A, %mul3A_46 : vector<1x128xf32>
      %tanh3A_48 = math.tanh %add3A_47 : vector<1x128xf32>
      %mul3A_49 = arith.mulf %logistic3A_45, %tanh3A_48 : vector<1x128xf32>
      scf.yield %mul3A_49, %add3A_47 : vector<1x128xf32>, vector<1x128xf32>
    }
    %scan3A_5 = arith.constant 16 : i32
    %swap3A = arith.constant 0 : index
    %swap3A_6 = arith.constant 0 : index
    %swap3A_7 = vector.load %arg4[%swap3A, %swap3A_6] : memref<1x128xf32, #tpu.memory_space<vmem>>, vector<1x128xf32>
    tpu.vector_store %arg4[%swap3A, %swap3A_6], %scan3A_4#1 {strides = array<i32>} : memref<1x128xf32, #tpu.memory_space<vmem>>, vector<1x128xf32>,
    return
  }
}

module attributes {stable_mosaic.version = 14 : i64} {
  func.func @_rel_body(%arg0: memref<200x128xf32, #tpu.memory_space<vmem>>, %arg1: memref<128x256xf32, #tpu.memory_space<vmem>>, %arg2: memref<1x128xf32, #tpu.memory_space<vmem>>, %arg3: memref<1x256xf32, #tpu.memory_space<vmem>>, %arg4: memref<1x128xf32, #tpu.memory_space<vmem>>, %arg5: memref<408x128xf32, #tpu.memory_space<vmem>>, %arg6: memref<408x1xf32, #tpu.memory_space<vmem>>) attributes {dimension_semantics = [], scalar_prefetch = 0 : i64, scratch_operands = 0 : i64, tpu.core_type = #tpu.core_type<tc>} {
    %get3A = arith.constant 0 : index
    %get3A_0 = arith.constant 128 : index
    %get3A_1 = vector.load %arg1[%get3A, %get3A_0] : memref<128x256xf32, #tpu.memory_space<vmem>>, vector<128x128xf32>
    %get3A_2 = arith.constant 0 : index
    %get3A_3 = arith.constant 0 : index
    %get3A_4 = vector.load %arg0[%get3A_2, %get3A_3] : memref<200x128xf32, #tpu.memory_space<vmem>>, vector<200x128xf32>
    %dot_general3A = arith.constant dense<0.000000e+00> : vector<200x128xf32>
    %dot_general3A_5 = tpu.matmul %get3A_4, %get3A_1, %dot_general3A {dimension_numbers = #tpu.dot_dimension_numbers<[1], [1], [0], [0], [0, 0, 1, 0], [], []>, transpose_lhs_hint = false} : vector<200x128xf32>, vector<128x128xf32>, vector<200x128xf32> -> vector<200x128xf32>
    %get3A_6 = arith.constant 0 : index
    %get3A_7 = arith.constant 0 : index
    %get3A_8 = vector.load %arg2[%get3A_6, %get3A_7] : memref<1x128xf32, #tpu.memory_space<vmem>>, vector<1x128xf32>
    %add3A = vector.broadcast %get3A_8 : vector<1x128xf32> to vector<200x128xf32>
    %add3A_9 = arith.addf %dot_general3A_5, %add3A : vector<200x128xf32>
    %neg3A = arith.constant 0.000000e+00 : f32
    %neg3A_10 = vector.broadcast %neg3A : f32 to vector<200x128xf32>
    %neg3A_11 = arith.subf %neg3A_10, %dot_general3A_5 : vector<200x128xf32>
    %add3A_12 = vector.broadcast %get3A_8 : vector<1x128xf32> to vector<200x128xf32>
    %add3A_13 = arith.addf %neg3A_11, %add3A_12 : vector<200x128xf32>
    %broadcast_in_dim3A = vector.shape_cast %get3A_8 : vector<1x128xf32> to vector<1x128xf32>
    %broadcast_in_dim3A_14 = vector.broadcast %broadcast_in_dim3A : vector<1x128xf32> to vector<8x128xf32>
    %concatenate3A = tpu.concatenate %add3A_9, %add3A_13, %broadcast_in_dim3A_14 in 0 : vector<200x128xf32>, vector<200x128xf32>, vector<8x128xf32> -> vector<408x128xf32>
    %swap3A = arith.constant 0 : index
    %swap3A_15 = arith.constant 0 : index
    %swap3A_16 = vector.load %arg5[%swap3A, %swap3A_15] : memref<408x128xf32, #tpu.memory_space<vmem>>, vector<408x128xf32>
    tpu.vector_store %arg5[%swap3A, %swap3A_15], %concatenate3A {strides = array<i32>} : memref<408x128xf32, #tpu.memory_space<vmem>>, vector<408x128xf32>,
    %get3A_17 = arith.constant 0 : index
    %get3A_18 = arith.constant 0 : index
    %get3A_19 = vector.load %arg3[%get3A_17, %get3A_18] : memref<1x256xf32, #tpu.memory_space<vmem>>, vector<1x128xf32>
    %get3A_20 = arith.constant 0 : index
    %get3A_21 = arith.constant 128 : index
    %get3A_22 = vector.load %arg3[%get3A_20, %get3A_21] : memref<1x256xf32, #tpu.memory_space<vmem>>, vector<1x128xf32>
    %get3A_23 = arith.constant 0 : index
    %get3A_24 = arith.constant 0 : index
    %get3A_25 = vector.load %arg4[%get3A_23, %get3A_24] : memref<1x128xf32, #tpu.memory_space<vmem>>, vector<1x128xf32>
    %mul3A = arith.mulf %get3A_25, %get3A_22 : vector<1x128xf32>
    %reduce_sum3A = vector.shape_cast %mul3A : vector<1x128xf32> to vector<1x1x128xf32>
    %reduce_sum3A_26 = arith.constant dense<0.000000e+00> : vector<1xf32>
    %reduce_sum3A_27 = vector.multi_reduction <add>, %reduce_sum3A, %reduce_sum3A_26 [1, 2] : vector<1x1x128xf32> to vector<1xf32>
    %reduce_sum3A_28 = vector.shape_cast %reduce_sum3A_27 : vector<1xf32> to vector<1x1x1xf32>
    %reduce_sum3A_29 = vector.extract %reduce_sum3A_28[0, 0, 0] : f32 from vector<1x1x1xf32>
    %mul3A_30 = vector.broadcast %get3A_19 : vector<1x128xf32> to vector<408x128xf32>
    %mul3A_31 = arith.mulf %concatenate3A, %mul3A_30 : vector<408x128xf32>
    %reduce_sum3A_32 = arith.constant dense<0.000000e+00> : vector<408xf32>
    %reduce_sum3A_33 = vector.multi_reduction <add>, %mul3A_31, %reduce_sum3A_32 [1] : vector<408x128xf32> to vector<408xf32>
    %broadcast_in_dim3A_34 = vector.shape_cast %reduce_sum3A_33 : vector<408xf32> to vector<408x1xf32>
    %add3A_35 = vector.broadcast %reduce_sum3A_29 : f32 to vector<408x1xf32>
    %add3A_36 = arith.addf %broadcast_in_dim3A_34, %add3A_35 : vector<408x1xf32>
    %swap3A_37 = arith.constant 0 : index
    %swap3A_38 = arith.constant 0 : index
    %swap3A_39 = vector.load %arg6[%swap3A_37, %swap3A_38] : memref<408x1xf32, #tpu.memory_space<vmem>>, vector<408x1xf32>
    tpu.vector_store %arg6[%swap3A_37, %swap3A_38], %add3A_36 {strides = array<i32>} : memref<408x1xf32, #tpu.memory_space<vmem>>, vector<408x1xf32>,
    return
  }
}

module attributes {stable_mosaic.version = 14 : i64} {
  func.func @_node_body(%arg0: memref<10240x128xf32, #tpu.memory_space<vmem>>, %arg1: memref<128x256xf32, #tpu.memory_space<vmem>>, %arg2: memref<1x256xf32, #tpu.memory_space<vmem>>, %arg3: memref<10240x128xf32, #tpu.memory_space<vmem>>, %arg4: memref<10240x1xf32, #tpu.memory_space<vmem>>) attributes {dimension_semantics = [], scalar_prefetch = 0 : i64, scratch_operands = 0 : i64, tpu.core_type = #tpu.core_type<tc>} {
    %get3A = arith.constant 0 : index
    %get3A_0 = arith.constant 0 : index
    %get3A_1 = vector.load %arg1[%get3A, %get3A_0] : memref<128x256xf32, #tpu.memory_space<vmem>>, vector<128x128xf32>
    %get3A_2 = arith.constant 0 : index
    %get3A_3 = arith.constant 0 : index
    %get3A_4 = vector.load %arg0[%get3A_2, %get3A_3] : memref<10240x128xf32, #tpu.memory_space<vmem>>, vector<10240x128xf32>
    %dot_general3A = arith.constant dense<0.000000e+00> : vector<10240x128xf32>
    %dot_general3A_5 = tpu.matmul %get3A_4, %get3A_1, %dot_general3A {dimension_numbers = #tpu.dot_dimension_numbers<[1], [1], [0], [0], [0, 0, 1, 0], [], []>, transpose_lhs_hint = false} : vector<10240x128xf32>, vector<128x128xf32>, vector<10240x128xf32> -> vector<10240x128xf32>
    %swap3A = arith.constant 0 : index
    %swap3A_6 = arith.constant 0 : index
    %swap3A_7 = vector.load %arg3[%swap3A, %swap3A_6] : memref<10240x128xf32, #tpu.memory_space<vmem>>, vector<10240x128xf32>
    tpu.vector_store %arg3[%swap3A, %swap3A_6], %dot_general3A_5 {strides = array<i32>} : memref<10240x128xf32, #tpu.memory_space<vmem>>, vector<10240x128xf32>,
    %get3A_8 = arith.constant 0 : index
    %get3A_9 = arith.constant 0 : index
    %get3A_10 = vector.load %arg2[%get3A_8, %get3A_9] : memref<1x256xf32, #tpu.memory_space<vmem>>, vector<1x128xf32>
    %mul3A = vector.broadcast %get3A_10 : vector<1x128xf32> to vector<10240x128xf32>
    %mul3A_11 = arith.mulf %dot_general3A_5, %mul3A : vector<10240x128xf32>
    %reduce_sum3A = arith.constant dense<0.000000e+00> : vector<10240xf32>
    %reduce_sum3A_12 = vector.multi_reduction <add>, %mul3A_11, %reduce_sum3A [1] : vector<10240x128xf32> to vector<10240xf32>
    %broadcast_in_dim3A = vector.shape_cast %reduce_sum3A_12 : vector<10240xf32> to vector<10240x1xf32>
    %swap3A_13 = arith.constant 0 : index
    %swap3A_14 = arith.constant 0 : index
    %swap3A_15 = vector.load %arg4[%swap3A_13, %swap3A_14] : memref<10240x1xf32, #tpu.memory_space<vmem>>, vector<10240x1xf32>
    tpu.vector_store %arg4[%swap3A_13, %swap3A_14], %broadcast_in_dim3A {strides = array<i32>} : memref<10240x1xf32, #tpu.memory_space<vmem>>, vector<10240x1xf32>,
    return
  }
}

module attributes {stable_mosaic.version = 14 : i64} {
  func.func @_final_body(%arg0: memref<2x10240x128xf32, #tpu.memory_space<vmem>>, %arg1: memref<2x10240x1xf32, #tpu.memory_space<vmem>>, %arg2: memref<1x128xf32, #tpu.memory_space<vmem>>, %arg3: memref<1x128xf32, #tpu.memory_space<vmem>>, %arg4: memref<1x128xf32, #tpu.memory_space<vmem>>, %arg5: memref<10000x1xf32, #tpu.memory_space<vmem>>) attributes {dimension_semantics = [], scalar_prefetch = 0 : i64, scratch_operands = 0 : i64, tpu.core_type = #tpu.core_type<tc>} {
    %get3A = arith.constant 0 : index
    %get3A_0 = arith.constant 0 : index
    %get3A_1 = arith.constant 0 : index
    %get3A_2 = vector.load %arg0[%get3A, %get3A_0, %get3A_1] : memref<2x10240x128xf32, #tpu.memory_space<vmem>>, vector<1x10240x128xf32>
    %get3A_3 = vector.shape_cast %get3A_2 : vector<1x10240x128xf32> to vector<10240x128xf32>
    %get3A_4 = arith.constant 1 : index
    %get3A_5 = arith.constant 0 : index
    %get3A_6 = arith.constant 0 : index
    %get3A_7 = vector.load %arg0[%get3A_4, %get3A_5, %get3A_6] : memref<2x10240x128xf32, #tpu.memory_space<vmem>>, vector<1x10240x128xf32>
    %get3A_8 = vector.shape_cast %get3A_7 : vector<1x10240x128xf32> to vector<10240x128xf32>
    %add3A = arith.addf %get3A_3, %get3A_8 : vector<10240x128xf32>
    %slice3A = vector.extract_strided_slice %add3A {offsets = [0, 0], sizes = [10000, 128], strides = [1, 1]} : vector<10240x128xf32> to vector<10000x128xf32>
    %get3A_9 = arith.constant 0 : index
    %get3A_10 = arith.constant 0 : index
    %get3A_11 = arith.constant 0 : index
    %get3A_12 = vector.load %arg1[%get3A_9, %get3A_10, %get3A_11] : memref<2x10240x1xf32, #tpu.memory_space<vmem>>, vector<1x10240x1xf32>
    %get3A_13 = vector.shape_cast %get3A_12 : vector<1x10240x1xf32> to vector<10240x1xf32>
    %get3A_14 = arith.constant 1 : index
    %get3A_15 = arith.constant 0 : index
    %get3A_16 = arith.constant 0 : index
    %get3A_17 = vector.load %arg1[%get3A_14, %get3A_15, %get3A_16] : memref<2x10240x1xf32, #tpu.memory_space<vmem>>, vector<1x10240x1xf32>
    %get3A_18 = vector.shape_cast %get3A_17 : vector<1x10240x1xf32> to vector<10240x1xf32>
    %add3A_19 = arith.addf %get3A_13, %get3A_18 : vector<10240x1xf32>
    %slice3A_20 = vector.extract_strided_slice %add3A_19 {offsets = [0, 0], sizes = [10000, 1], strides = [1, 1]} : vector<10240x1xf32> to vector<10000x1xf32>
    %gt3A = arith.constant 0.000000e+00 : f32
    %gt3A_21 = vector.broadcast %gt3A : f32 to vector<10000x1xf32>
    %gt3A_22 = arith.cmpf ogt, %slice3A_20, %gt3A_21 : vector<10000x1xf32>
    %jit3A = arith.constant 1.000000e+00 : f32
    %broadcast_in_dim3A = vector.broadcast %jit3A : f32 to vector<10000x1xf32>
    %select_n3A = arith.select %gt3A_22, %slice3A_20, %broadcast_in_dim3A : vector<10000x1xi1>, vector<10000x1xf32>
    %div3A = vector.broadcast %select_n3A : vector<10000x1xf32> to vector<10000x128xf32>
    %div3A_23 = arith.divf %slice3A, %div3A : vector<10000x128xf32>
    %jit3A_24 = arith.constant 0.000000e+00 : f32
    %broadcast_in_dim3A_25 = vector.shape_cast %gt3A_22 : vector<10000x1xi1> to vector<10000x1xi1>
    %broadcast_in_dim3A_26 = vector.broadcast %broadcast_in_dim3A_25 : vector<10000x1xi1> to vector<10000x128xi1>
    %broadcast_in_dim3A_27 = vector.broadcast %jit3A_24 : f32 to vector<10000x128xf32>
    %select_n3A_28 = arith.select %broadcast_in_dim3A_26, %div3A_23, %broadcast_in_dim3A_27 : vector<10000x128xi1>, vector<10000x128xf32>
    %reduce_sum3A = arith.constant dense<0.000000e+00> : vector<128xf32>
    %reduce_sum3A_29 = vector.multi_reduction <add>, %select_n3A_28, %reduce_sum3A [0] : vector<10000x128xf32> to vector<128xf32>
    %broadcast_in_dim3A_30 = vector.shape_cast %reduce_sum3A_29 : vector<128xf32> to vector<1x128xf32>
    %div3A_31 = arith.constant 1.000000e+04 : f32
    %div3A_32 = vector.broadcast %div3A_31 : f32 to vector<1x128xf32>
    %div3A_33 = arith.divf %broadcast_in_dim3A_30, %div3A_32 : vector<1x128xf32>
    %sub3A = vector.broadcast %div3A_33 : vector<1x128xf32> to vector<10000x128xf32>
    %sub3A_34 = arith.subf %select_n3A_28, %sub3A : vector<10000x128xf32>
    %integer_pow3A = arith.mulf %sub3A_34, %sub3A_34 : vector<10000x128xf32>
    %reduce_sum3A_35 = arith.constant dense<0.000000e+00> : vector<128xf32>
    %reduce_sum3A_36 = vector.multi_reduction <add>, %integer_pow3A, %reduce_sum3A_35 [0] : vector<10000x128xf32> to vector<128xf32>
    %broadcast_in_dim3A_37 = vector.shape_cast %reduce_sum3A_36 : vector<128xf32> to vector<1x128xf32>
    %div3A_38 = arith.constant 1.000000e+04 : f32
    %div3A_39 = vector.broadcast %div3A_38 : f32 to vector<1x128xf32>
    %div3A_40 = arith.divf %broadcast_in_dim3A_37, %div3A_39 : vector<1x128xf32>
    %get3A_41 = arith.constant 0 : index
    %get3A_42 = arith.constant 0 : index
    %get3A_43 = vector.load %arg3[%get3A_41, %get3A_42] : memref<1x128xf32, #tpu.memory_space<vmem>>, vector<1x128xf32>
    %sub3A_44 = vector.broadcast %div3A_33 : vector<1x128xf32> to vector<10000x128xf32>
    %sub3A_45 = arith.subf %select_n3A_28, %sub3A_44 : vector<10000x128xf32>
    %mul3A = vector.broadcast %get3A_43 : vector<1x128xf32> to vector<10000x128xf32>
    %mul3A_46 = arith.mulf %mul3A, %sub3A_45 : vector<10000x128xf32>
    %add3A_47 = arith.constant 9.99999974E-6 : f32
    %add3A_48 = vector.broadcast %add3A_47 : f32 to vector<1x128xf32>
    %add3A_49 = arith.addf %div3A_40, %add3A_48 : vector<1x128xf32>
    %sqrt3A = math.sqrt %add3A_49 : vector<1x128xf32>
    %div3A_50 = vector.broadcast %sqrt3A : vector<1x128xf32> to vector<10000x128xf32>
    %div3A_51 = arith.divf %mul3A_46, %div3A_50 : vector<10000x128xf32>
    %get3A_52 = arith.constant 0 : index
    %get3A_53 = arith.constant 0 : index
    %get3A_54 = vector.load %arg4[%get3A_52, %get3A_53] : memref<1x128xf32, #tpu.memory_space<vmem>>, vector<1x128xf32>
    %add3A_55 = vector.broadcast %get3A_54 : vector<1x128xf32> to vector<10000x128xf32>
    %add3A_56 = arith.addf %div3A_51, %add3A_55 : vector<10000x128xf32>
    %tanh3A = math.tanh %add3A_56 : vector<10000x128xf32>
    %get3A_57 = arith.constant 0 : index
    %get3A_58 = arith.constant 0 : index
    %get3A_59 = vector.load %arg2[%get3A_57, %get3A_58] : memref<1x128xf32, #tpu.memory_space<vmem>>, vector<1x128xf32>
    %sub3A_60 = vector.broadcast %get3A_59 : vector<1x128xf32> to vector<10000x128xf32>
    %sub3A_61 = arith.subf %sub3A_60, %tanh3A : vector<10000x128xf32>
    %mul3A_62 = arith.mulf %sub3A_61, %sub3A_61 : vector<10000x128xf32>
    %reduce_sum3A_63 = arith.constant dense<0.000000e+00> : vector<10000xf32>
    %reduce_sum3A_64 = vector.multi_reduction <add>, %mul3A_62, %reduce_sum3A_63 [1] : vector<10000x128xf32> to vector<10000xf32>
    %broadcast_in_dim3A_65 = vector.shape_cast %reduce_sum3A_64 : vector<10000xf32> to vector<10000x1xf32>
    %sqrt3A_66 = math.sqrt %broadcast_in_dim3A_65 : vector<10000x1xf32>
    %logistic3A = arith.negf %sqrt3A_66 : vector<10000x1xf32>
    %logistic3A_67 = math.exp %logistic3A : vector<10000x1xf32>
    %logistic3A_68 = arith.constant 1.000000e+00 : f32
    %logistic3A_69 = vector.broadcast %logistic3A_68 : f32 to vector<10000x1xf32>
    %logistic3A_70 = arith.addf %logistic3A_69, %logistic3A_67 : vector<10000x1xf32>
    %logistic3A_71 = arith.divf %logistic3A_69, %logistic3A_70 : vector<10000x1xf32>
    %swap3A = arith.constant 0 : index
    %swap3A_72 = arith.constant 0 : index
    %swap3A_73 = vector.load %arg5[%swap3A, %swap3A_72] : memref<10000x1xf32, #tpu.memory_space<vmem>>, vector<10000x1xf32>
    tpu.vector_store %arg5[%swap3A, %swap3A_72], %logistic3A_71 {strides = array<i32>} : memref<10000x1xf32, #tpu.memory_space<vmem>>, vector<10000x1xf32>,
    return
  }
}

</mosaic_0001>

<sc_bundles>
// kernel: kernel.11.cloned.1.call-start
scs
__scs_entry_jumppad:
0x0: {  	(pc) =	sbr.rel $0x88, $3  }
0x1: {  	(tag) =	ssettag $0x0;
	lr =	simm.s32 $0x1  }
0x2: {  	[smem:$0x3F92] =	sst lr;
	_ =	strace $0xD0000000  }
0x3: {  	_ = 	snop  }
0x4: {  	_ = 	snop  }
0x5: {  	_ = 	snop  }
0x6: {  	_ = 	snop  }
0x7: {  	_ = 	snop  }
__scs_overlays_trampoline_lowered:
0x8: {  	[smem:$0x3FA1] =	sst s0  }
0x9: {  	[smem:$0x3FA2] =	sst s1  }
0xa: {  	[smem:$0x3FA3] =	sst s2  }
0xb: {  	[smem:$0x3FA4] =	sst s3  }
0xc: {  	[smem:$0x3FA5] =	sst s4  }
0xd: {  	[smem:$0x3FA6] =	sst s5  }
0xe: {  	[smem:$0x3FA7] =	sst s6  }
0xf: {  	[smem:$0x3FA8] =	sst s7  }
0x10: {  	[smem:$0x3FA9] =	sst s8  }
0x11: {  	[smem:$0x3FAA] =	sst s9;
	s0 =	simm.s32 @!p0 $0x0  }
0x12: {  	s1 =	sld [smem:$0x3F90];
	s0 =	simm.s32 @p0 $0x1  }
0x13: {  	[smem:$0x3FAB] =	sst s0;
	s0 =	simm.s32 @!p1 $0x0  }
0x14: {  	s2 =	sld [smem:$0x3F8F];
	s0 =	simm.s32 @p1 $0x1  }
0x15: {  	[smem:$0x3FAC] =	sst s0;
	s0 =	simm.s32 @!p2 $0x0  }
0x16: {  	s3 =	sld [smem:$0x3FDB];
	s0 =	simm.s32 @p2 $0x1  }
0x17: {  	s4 =	simm.s32 $0x1BF5;
	[smem:$0x3FAE] =	sst s0  }
0x18: {  	s0 =	sld [smem:$0x3F91];
	_ =	swait.ge [sflag:s4], $0x0  }
0x19: {  	s7 =	sld [smem:$0x3F92]  }
0x1a: {  	s8 =	sadd.s32 $0xFFFFE003, lr  }
0x1b: {  	s9 =	sadd.s32 $0xFFFFFEF7, lr;
	s5 =	simm.s32 $0xFFFFFFFF;
	p2 =	slt.u32 s8, $0xFFFFF086  }
0x1c: {  	p1 =	slt.u32 s9, $0xF7A;
	s5 =	simm.s32 @!p2 $0x0  }
0x1d: {  	s5 =	simm.s32 @p1 $0x1;
	p0 =	seq.s32 s7, s2  }
0x1e: {  	s7 =	smul.u32 @!p0 $0xF7A, s2;
	p2 =	seq.s32 @!p0 s5, $0x0  }
0x1f: {  	s9 =	smul.u32 $0xF7A, s1;
	s8 =	simm.s32 @!p0 $0x1BF5;
	p2 =	por !p2, p0  }
0x20: {  	[sflag:s8] =	ssyncset.s32 @!p0 $0xFFFFF086;
	s6 =	sadd.s32 @!p0 s3, s7;
	s7 =	simm.s32 @!p0 $0x108  }
0x21: {  	s3 =	sadd.s32 s3, s9;
	s6 =	sadd.s32 @!p0 $0x88, s6;
	s7 =	simm.s32 @p2 $0x1082  }
0x22: {  	[simem:s7], [sflag:s8] =	dma.local @!p0 [hbm:s6], $0xF7A  }
0x23: {  	s9 =	sor.u32 $0xD0000000, s2;
	s6 =	simm.s32 $0x108;
	_ =	swait.ge @!p0 [sflag:s8], $0x0  }
0x24: {  	s3 =	sadd.s32 $0x88, s3;
	s6 =	simm.s32 @!p1 $0x1082;
	[sflag:s4] =	ssyncset.s32 $0xFFFFF086  }
0x25: {  	[simem:s6], [sflag:s4] =	dma.local [hbm:s3], $0xF7A  }
0x26: {  	[smem:$0x3F92] =	sst s1;
	(tag) =	ssettag s2;
	_ =	strace s9  }
0x27: {  	s1 =	sld [smem:$0x3FA2]  }
0x28: {  	s2 =	sld [smem:$0x3FA3]  }
0x29: {  	s4 =	sld [smem:$0x3FA5]  }
0x2a: {  	p0 =	seq.s32 s5, $0x0;
	s5 =	sld [smem:$0x3FA6]  }
0x2b: {  	s6 =	sld [smem:$0x3FA7]  }
0x2c: {  	s7 =	sld [smem:$0x3FA8]  }
0x2d: {  	s3 =	simm.s32 $0x108;
	s8 =	sld [smem:$0x3FA9]  }
0x2e: {  	s3 =	simm.s32 @!p0 $0x1082;
	s9 =	sld [smem:$0x3FAA]  }
0x2f: {  	lr =	sadd.s32 s0, s3;
	s0 =	sld [smem:$0x3FA1]  }
0x30: {  	s3 =	sld [smem:$0x3FA4]  }
0x31: {  	[smem:$0x3FAD] =	sst s10  }
0x32: {  	s10 =	sld [smem:$0x3FAB];
	_ =	sdelay $0x3  }
0x33: {  	p0 =	seq.s32 s10, $0x1;
	s10 =	sld [smem:$0x3FAD];
	_ =	sdelay $0x3  }
0x34: {  	[smem:$0x3FAD] =	sst s10  }
0x35: {  	s10 =	sld [smem:$0x3FAC];
	_ =	sdelay $0x3  }
0x36: {  	p1 =	seq.s32 s10, $0x1;
	s10 =	sld [smem:$0x3FAD];
	_ =	sdelay $0x3  }
0x37: {  	[smem:$0x3FAD] =	sst s10  }
0x38: {  	s10 =	sld [smem:$0x3FAE]  }
0x39: {  	_ = 	snop;
	(pc) =	sbr.ind lr, $3  }
0x3a: {  	_ = 	snop  }
0x3b: {  	_ = 	snop  }
0x3c: {  	p2 =	seq.s32 s10, $0x1;
	s10 =	sld [smem:$0x3FAD]  }
0x3d: {  	_ =	shalt  }
0x3e: {  	_ =	shalt  }
0x3f: {  	_ =	shalt  }
0x40: {  	_ =	shalt  }
0x41: {  	_ =	shalt  }
0x42: {  	_ =	shalt  }
0x43: {  	_ =	shalt  }
0x44: {  	_ =	shalt  }
0x45: {  	_ =	shalt  }
0x46: {  	_ =	shalt  }
0x47: {  	_ =	shalt  }
0x48: {  	_ =	shalt  }
0x49: {  	_ =	shalt  }
0x4a: {  	_ =	shalt  }
0x4b: {  	_ =	shalt  }
0x4c: {  	_ =	shalt  }
0x4d: {  	_ =	shalt  }
0x4e: {  	_ =	shalt  }
0x4f: {  	_ =	shalt  }
0x50: {  	_ =	shalt  }
0x51: {  	_ =	shalt  }
0x52: {  	_ =	shalt  }
0x53: {  	_ =	shalt  }
0x54: {  	_ =	shalt  }
0x55: {  	_ =	shalt  }
0x56: {  	_ =	shalt  }
0x57: {  	_ =	shalt  }
0x58: {  	_ =	shalt  }
0x59: {  	_ =	shalt  }
0x5a: {  	_ =	shalt  }
0x5b: {  	_ =	shalt  }
0x5c: {  	_ =	shalt  }
0x5d: {  	_ =	shalt  }
0x5e: {  	_ =	shalt  }
0x5f: {  	_ =	shalt  }
0x60: {  	_ =	shalt  }
0x61: {  	_ =	shalt  }
0x62: {  	_ =	shalt  }
0x63: {  	_ =	shalt  }
0x64: {  	_ =	shalt  }
0x65: {  	_ =	shalt  }
0x66: {  	_ =	shalt  }
0x67: {  	_ =	shalt  }
0x68: {  	_ =	shalt  }
0x69: {  	_ =	shalt  }
0x6a: {  	_ =	shalt  }
0x6b: {  	_ =	shalt  }
0x6c: {  	_ =	shalt  }
0x6d: {  	_ =	shalt  }
0x6e: {  	_ =	shalt  }
0x6f: {  	_ =	shalt  }
0x70: {  	_ =	shalt  }
0x71: {  	_ =	shalt  }
0x72: {  	_ =	shalt  }
0x73: {  	_ =	shalt  }
0x74: {  	_ =	shalt  }
0x75: {  	_ =	shalt  }
0x76: {  	_ =	shalt  }
0x77: {  	_ =	shalt  }
0x78: {  	_ =	shalt  }
0x79: {  	_ =	shalt  }
0x7a: {  	_ =	shalt  }
0x7b: {  	_ =	shalt  }
0x7c: {  	_ =	shalt  }
0x7d: {  	_ =	shalt  }
0x7e: {  	_ =	shalt  }
0x7f: {  	_ =	shalt  }
0x80: {  	_ =	shalt  }
0x81: {  	_ =	shalt  }
0x82: {  	_ =	shalt  }
0x83: {  	_ =	shalt  }
0x84: {  	_ =	shalt  }
0x85: {  	_ =	shalt  }
0x86: {  	_ =	shalt  }
0x87: {  	_ =	shalt  }
.Lfunc_end0:
.L_simem_size_0:
called_computation.1_lowered:
.L_overlay_start_0:
0x88: {  	s2 =	sld [smem:$0x3FD9]  }
0x89: {  	s3 =	sld [smem:$0x3FFE];
	_ =	sdelay $0x1  }
0x8a: {  	s1 =	srdreg.scid  }
0x8b: {  	s0 =	sand.u32 $0x1, s1  }
0x8c: {  	s17 =	sshll.u32 s0, $0xA;
	s2 =	sadd.s32 s3, s2  }
0x8d: {  	s2 =	sadd.s32 s2, s17  }
0x8e: {  	[smem:$0x3FB9] =	sst s2  }
0x8f: {  	_ = 	snop  }
0x90: {  	s2 =	sld [smem:$0x3FD0];
	(tm) =	ssettm $0x1  }
0x91: {  	s18 =	sld [smem:$0x3FFB];
	_ =	sdelay $0x3  }
0x92: {  	_ =	strace s18  }
0x93: {  	s3 =	sld [smem:$0x3FFC];
	_ =	sdelay $0x3  }
0x94: {  	_ =	strace s3  }
0x95: {  	s3 =	sld [smem:$0x3FFD];
	_ =	sdelay $0x3  }
0x96: {  	_ =	strace s3  }
0x97: {  	_ =	strace $0x8FFFFFFF  }
0x98: {  	s19 =	sld [smem:$0x3FDB];
	_ =	sdelay $0x1  }
0x99: {  	s4 =	simm.s32 $_scs_section_size  }
0x9a: {  	s5 =	simm.s32 $_size__tile_overlayer_lowered;
	s6 =	simm.s32 $_tile_overlayer_lowered  }
0x9b: {  	s22 =	simm.s32 $0x1BFF;
	s21 =	sshll.u32 s6, $0x1;
	s3 =	sadd.s32 s4, s19  }
0x9c: {  	s7 =	simm.s32 $0x0;
	s20 =	sshll.u32 s5, $0x1;
	s5 =	sadd.s32 s21, s3  }
0x9d: {  	[timem:s7], [sflag:s22] =	dma.local [hbm:s5], s20  }
0x9e: {  	_ =	swait.ge [sflag:s22], s20  }
0x9f: {  	s4 =	ssub.s32 $0x0, s20;
	[sflag:s22] =	ssyncset.done $0x0  }
0xa0: {  	[sflag:s22] =	ssyncadd.s32 s4;
	_ =	sdelay $0x1  }
0xa1: {  	s23 =	simm.s32 $0x1B8B  }
0xa2: {  	_ =	swait.ge [sflag:s23], $0x1  }
0xa3: {  	[sflag:s23] =	ssyncset.done $0x0  }
0xa4: {  	s25 =	simm.s32 $0x1B8E;
	s24 =	sld [smem:$0x3FFE];
	[sflag:s23] =	ssyncadd.s32 $0xFFFFFFFF  }
0xa5: {  	s26 =	simm.s32 $execute0_lowered;
	[smem:$0x3FD2] =	sst s25  }
0xa6: {  	s5 =	sshll.u32 s26, $0x1;
	_ =	strace $0x80000049;
	[dreg:$0x1] =	wrdreg $0xFFFFFFFF  }
0xa7: {  	s28 =	simm.s32 $_size_execute0_lowered;
	s3 =	sadd.s32 s3, s5;
	[dreg:$0x0] =	wrdreg $0x0  }
0xa8: {  	s5 =	sshll.u32 s28, $0x1;
	[dreg:$0x2] =	wrdreg s3  }
0xa9: {  	[dreg:$0x3] =	wrdreg s5  }
0xaa: {  	[dreg:$0x4] =	wrdreg $0xC0  }
0xab: {  	_ =	task [dreg:s7], $0x5FFFF  }
0xac: {  	[dreg:$0x1] =	wrdreg $0xFFFFFFFF  }
0xad: {  	[dreg:$0x0] =	wrdreg $0x60  }
0xae: {  	[dreg:$0x2] =	wrdreg s24  }
0xaf: {  	[dreg:$0x3] =	wrdreg s2  }
0xb0: {  	[dreg:$0x4] =	wrdreg $0xAE000  }
0xb1: {  	[dreg:$0x5] =	wrdreg $0x1EE000  }
0xb2: {  	[dreg:$0x6] =	wrdreg $0x9  }
0xb3: {  	_ =	task.clear_ibuf [dreg:s7], $0x7FFFF;
	_ =	strace $0x90000049  }
0xb4: {  	s29 =	simm.s32 $0x9;
	_ =	strace $0x8000004B  }
0xb5: {  	_ =	swait.ge [sflag:s29], $0x1  }
0xb6: {  	[sflag:s29] =	ssyncadd.s32 $0xFFFFFFFF  }
0xb7: {  	_ =	strace $0x9000004B  }
0xb8: {  	_ =	sfence  }
0xb9: {  	s30 =	sld [smem:$0x0];
	_ =	sdelay $0x2  }
0xba: {  	s31 =	sshll.u32 s1, $0xD;
	s1 =	sshrl.u32 s1, $0x2  }
0xbb: {  	s3 =	sand.u32 $0x4000, s31;
	s1 =	sadd.s32 s1, s30  }
0xbc: {  	s0 =	sor.u32 s3, s0;
	s1 =	sshll.u32 s1, $0x11  }
0xbd: {  	s0 =	sor.u32 s1, s0  }
0xbe: {  	s0 =	sadd.s32 $0x8F2B, s0  }
0xbf: {  	[sflag:s0] =	ssyncadd.remote.s32 $0x1  }
0xc0: {  	_ =	sfence.sel $0xFFFF  }
0xc1: {  	[dreg:$0x0] =	wrdreg $0xFFFFFFFF;
	(pc) =	sbr.abs _section_cstart, $3  }
0xc2: {  	[dreg:$0x1] =	wrdreg $0xFFFFFFFF  }
0xc3: {  	_ =	task.clear_ibuf [dreg:s7], $0x2FFFF;
	_ =	strace $0x9FFFFFFF  }
0xc4: {  	(tm) =	ssettm $0x7FFFFFFF  }
0xc5: {  	_ =	shalt  }
tec
execute0_lowered:
.L_overlay_start_1:
0x0: {  	(tag) =	ssettag $0x1  }
0x1: {  	s0 =	rddreg [dreg:$0x0]  }
0x2: {  	s2 =	rddreg [dreg:$0x2]  }
0x3: {  	s3 =	rddreg [dreg:$0x3];
	s4 =	simm.s32 $0x0;
	s16 =	stileid.u32  }
0x4: {  	s1 =	srdreg.scid;
	s30 =	simm.s32 $0x40;
	s31 =	simm.s32 $0x2B80  }
0x5: {  	s28 =	simm.s32 $0x4;
	s17 =	simm.s32 $0xAD80;
	[smem:$0x7FF] =	sst s4  }
0x6: {  	s6 =	sadd.s32 $0x33800, s0;
	s5 =	smul.u32 $0x14000, s16;
	s1 =	sand.u32 $0x1, s1  }
0x7: {  	s7 =	sadd.s32 $0x3F400, s0;
	s8 =	sadd.s32 $0x29800, s0;
	s9 =	sadd.s32 $0x1800, s0  }
0x8: {  	s10 =	sadd.s32 $0x3D800, s0;
	s13 =	sadd.s32 $0x3F200, s0;
	s19 =	sadd.s32 $0x49400, s0  }
0x9: {  	s14 =	smul.u32 $0x50000, s16;
	_ =	strace $0x8000004A;
	[dreg:$0x5] =	wrdreg s13  }
0xa: {  	p0 =	sne.s32 s16, $0x0;
	s11 =	smul.u32 $0x140000, s1;
	[dreg:$0x6] =	wrdreg s19  }
0xb: {  	s20 =	sshll.u32 s1, $0x4;
	s1 =	ssub.s32 $0x2, s1;
	s12 =	sshrl.u32 s5, $0x3  }
0xc: {  	s21 =	sor.u32 s16, s20;
	s15 =	sshrl.u32 s1, $0x1;
	s22 =	sshrl.u32 s14, $0x2  }
0xd: {  	s14 =	simm.s32 $0x6D80;
	s16 =	simm.s32 $0x5;
	s12 =	sadd.s32 s12, s0  }
0xe: {  	s5 =	sadd.s32 s5, s11;
	s13 =	smul.u32 $0x2800, s21;
	s1 =	ssub.s32 s1, s15  }
0xf: {  	s11 =	sadd.s32 s22, s2;
	s15 =	simm.s32 $0x6B80;
	s22 =	simm.s32 $0x0  }
0x10: {  	s5 =	sshrl.u32 s5, $0x3;
	[dreg:$0x7] =	wrdreg s11;
	s23 =	sadd.s32 $0x49A00, s12  }
0x11: {  	s29 =	smax.u32 s1, $0x1;
	s1 =	simm.s32 $0x6C00;
	s12 =	simm.s32 $0x3  }
0x12: {  	s5 =	sadd.s32 s5, s0;
	[dreg:$0x8] =	wrdreg s23;
	s24 =	sshrl.u32 s13, $0x3  }
0x13: {  	s0 =	sadd.s32 s20, s0;
	[dreg:$0xe] =	wrdreg s29;
	s25 =	sadd.s32 s6, s24  }
0x14: {  	s18 =	sor.u32 $0x40, s13;
	s26 =	sadd.s32 s7, s24;
	[dreg:$0x9] =	wrdreg s25  }
0x15: {  	s19 =	sor.u32 $0x80, s13;
	s11 =	sadd.s32 s8, s24;
	[dreg:$0xa] =	wrdreg s26  }
0x16: {  	s13 =	simm.s32 $0x6;
	s5 =	sadd.s32 $0x72400, s5;
	[dreg:$0xb] =	wrdreg s11  }
0x17: {  	s0 =	sadd.s32 $0x71A00, s0;
	s24 =	simm.s32 $0x2800;
	[dreg:$0xc] =	wrdreg s5  }
0x18: {  	[dreg:$0xd] =	wrdreg s0;
	s25 =	simm.s32 $0xB;
	s26 =	simm.s32 $0x2A80  }
0x19: {  	s0 =	simm.s32 $0x6C80;
	s5 =	simm.s32 $0x6D00;
	s11 =	simm.s32 $0x2  }
.LBB2_1:
0x1a: {  	[dreg:$0xf] =	wrdreg s22  }
0x1b: {  	s20 =	rddreg [dreg:$0x1]  }
0x1c: {  	[tilespmem:s4], [sflag:$0xB] =	stream.linear.gather [hbm4b:s20+s4], $0x2800, $0x38;
	[tilespmem:$0x1F080] =	vst v63  }
0x1d: {  	_ =	swait.ge [sflag:s25], $0x2800  }
0x1e: {  	[sflag:s25] =	ssyncset.done $0x0  }
0x1f: {  	s23 =	stileid.u32;
	s22 =	rddreg [dreg:$0x5];
	[sflag:s25] =	ssyncadd.s32 $0xFFFFD800  }
0x20: {  	[tilespmem:s24], [sflag:$0xB] =	stream.linear.gather [hbm4b:s22+s4], $0x200, $0x38;
	[tilespmem:$0x1F080] =	vst v63  }
0x21: {  	s20 =	sshll.u32 s23, $0x6;
	_ =	swait.ge [sflag:s25], $0x200  }
0x22: {  	s21 =	sor.u32 $0x1C0B, s20;
	s29 =	rddreg [dreg:$0x7]  }
0x23: {  	[sflag:s25] =	ssyncset.done $0x0;
	s23 =	rddreg [dreg:$0x8];
	s20 =	sshrl.u32 s29, $0x3  }
0x24: {  	[sflag:s25] =	ssyncadd.s32 $0xFFFFFE00;
	[dreg:$0x12] =	wrdreg s20  }
0x25: {  	[spmem:s20], [sflag:s21] =	dma.local [hbm:s23], $0x2800  }
0x26: {  	s22 =	sshrl.u32 @!p0 s3, $0x3;
	_ =	swait.ge [sflag:s25], $0x2800;
	[dreg:$0x10] =	wrdreg s21  }
0x27: {  	[dreg:$0x11] =	wrdreg s22;
	[sflag:s25] =	ssyncset.done $0x0  }
0x28: {  	s20 =	rddreg [dreg:$0x6];
	[sflag:s25] =	ssyncadd.s32 $0xFFFFD800  }
0x29: {  	[spmem:s22], [sflag:s21] =	dma.local @!p0 [hbm:s20], $0x500  }
0x2a: {  	s20 =	simm.s32 @!p0 $0xB  }
0x2b: {  	_ =	swait.ge @!p0 [sflag:s20], $0x500  }
0x2c: {  	[sflag:s20] =	ssyncset.done @!p0 $0x0  }
0x2d: {  	[sflag:s20] =	ssyncadd.s32 @!p0 $0xFFFFFB00  }
0x2e: {  	[bflag:$0x0] =	sbarrier.arrive $0xFFFF  }
0x2f: {  	s21 =	simm.s32 $0x2A00;
	s25 =	rddreg [dreg:$0x9]  }
0x30: {  	[tilespmem:s21], [sflag:$0x1] =	stream.linear.gather [hbm4b:s25+s4], $0x40, $0x38;
	[tilespmem:$0x1F080] =	vst v63  }
0x31: {  	s29 =	rddreg [dreg:$0xa]  }
0x32: {  	[tilespmem:s26], [sflag:$0x1] =	stream.linear.gather [hbm4b:s29+s4], $0x40, $0x38;
	[tilespmem:$0x1F080] =	vst v63  }
0x33: {  	s23 =	simm.s32 $0x2B00;
	s22 =	rddreg [dreg:$0xb];
	s25 =	simm.s32 $0x1  }
0x34: {  	[tilespmem:s23], [sflag:$0x1] =	stream.linear.gather [hbm4b:s22+s4], $0x40, $0x38;
	[tilespmem:$0x1F080] =	vst v63  }
0x35: {  	_ =	swait.ge [sflag:s25], $0x40  }
0x36: {  	[sflag:s25] =	ssyncset.done $0x0  }
0x37: {  	[sflag:s25] =	ssyncadd.s32 $0xFFFFFFC0  }
0x38: {  	_ =	swait.ge [sflag:s25], $0x40  }
0x39: {  	[sflag:s25] =	ssyncset.done $0x0  }
0x3a: {  	[sflag:s25] =	ssyncadd.s32 $0xFFFFFFC0  }
0x3b: {  	_ =	swait.ge [sflag:s25], $0x40  }
0x3c: {  	[sflag:s25] =	ssyncset.done $0x0  }
0x3d: {  	[sflag:s25] =	ssyncadd.s32 $0xFFFFFFC0  }
0x3e: {  	[tilespmem:s31], [sflag:$0x2] =	stream.indirect.gather [hbm4b:s9+s30], $0x80, s21, s30, $0xb8;
	[tilespmem:$0x1F080] =	vst v63  }
0x3f: {  	s29 =	simm.s32 $0x4B80;
	s21 =	simm.s32 $0x0  }
0x40: {  	[tilespmem:s29], [sflag:$0x3] =	stream.indirect.gather [hbm4b:s10+s30], $0x80, s23, s30, $0xb8;
	[tilespmem:$0x1F080] =	vst v63  }
.LBB2_2:
0x41: {  	v0 =	vld [tilespmem:$0x2A00]  }
0x42: {  	v1 =	vld [tilespmem:$0x2B00];
	_ =	sdelay $0x6  }
0x43: {  	v0 =	vld.idx.msk [tilespmem:v0+s4+$0x0], $0xffff  }
0x44: {  	v1 =	vld.idx.msk [tilespmem:v1+s24+$0x0], $0xffff;
	_ =	sdelay $0x4  }
0x45: {  	v0 =	vadd.f32 v1, v0;
	_ =	sdelay $0x1  }
0x46: {  	v1 =	vand.u32 $0x7FFFFFFF, v0  }
0x47: {  	v1 =	vadd.f32 v1, v1;
	_ =	sdelay $0x1  }
0x48: {  	v1 =	vmul.f32 $1.442695020e+00, v1;
	_ =	sdelay $0x1  }
0x49: {  	(erf) = vpow2.f32 v1;
	_ =	sdelay $0x8  }
0x4a: {  	v1 =	vpop (erf)  }
0x4b: {  	v1 =	vadd.f32 $1.000000000e+00, v1;
	_ =	sdelay $0x1  }
0x4c: {  	(erf) = vrcp.f32 v1;
	_ =	sdelay $0x8  }
0x4d: {  	v1 =	vpop (erf)  }
0x4e: {  	v1 =	vadd.f32 v1, v1;
	_ =	sdelay $0x1  }
0x4f: {  	v1 =	vsub.f32 $1.000000000e+00, v1;
	_ =	sdelay $0x1  }
0x50: {  	v2 =	vsub.f32 $0.0e+00, v1  }
0x51: {  	vm0 =	vlt.f32 v0, $0.0e+00  }
0x52: {  	v0 =	vsel vm0, v2, v1  }
0x53: {  	v0 =	vmul.f32 $1.442695020e+00, v0;
	_ =	sdelay $0x1  }
0x54: {  	(erf) = vpow2.f32 v0;
	_ =	sdelay $0x2  }
0x55: {  	v0 =	vld [tilespmem:$0x2A10]  }
0x56: {  	v1 =	vld [tilespmem:$0x2B10];
	_ =	sdelay $0x4  }
0x57: {  	v2 =	vpop (erf)  }
0x58: {  	[tilespmem:$0x6B80] =	vst v2  }
0x59: {  	v0 =	vld.idx.msk [tilespmem:v0+s4+$0x0], $0xffff  }
0x5a: {  	v1 =	vld.idx.msk [tilespmem:v1+s24+$0x0], $0xffff;
	_ =	sdelay $0x4  }
0x5b: {  	v0 =	vadd.f32 v1, v0;
	_ =	sdelay $0x1  }
0x5c: {  	v1 =	vand.u32 $0x7FFFFFFF, v0  }
0x5d: {  	v1 =	vadd.f32 v1, v1;
	_ =	sdelay $0x1  }
0x5e: {  	v1 =	vmul.f32 $1.442695020e+00, v1;
	_ =	sdelay $0x1  }
0x5f: {  	(erf) = vpow2.f32 v1;
	_ =	sdelay $0x8  }
0x60: {  	v1 =	vpop (erf)  }
0x61: {  	v1 =	vadd.f32 $1.000000000e+00, v1;
	_ =	sdelay $0x1  }
0x62: {  	(erf) = vrcp.f32 v1;
	_ =	sdelay $0x8  }
0x63: {  	v1 =	vpop (erf)  }
0x64: {  	v1 =	vadd.f32 v1, v1;
	_ =	sdelay $0x1  }
0x65: {  	v1 =	vsub.f32 $1.000000000e+00, v1;
	_ =	sdelay $0x1  }
0x66: {  	v2 =	vsub.f32 $0.0e+00, v1  }
0x67: {  	vm13 =	vlt.f32 v0, $0.0e+00  }
0x68: {  	v0 =	vsel vm13, v2, v1  }
0x69: {  	v0 =	vmul.f32 $1.442695020e+00, v0;
	_ =	sdelay $0x1  }
0x6a: {  	(erf) = vpow2.f32 v0;
	_ =	sdelay $0x2  }
0x6b: {  	v0 =	vld [tilespmem:$0x2A20]  }
0x6c: {  	v1 =	vld [tilespmem:$0x2B20];
	_ =	sdelay $0x4  }
0x6d: {  	v2 =	vpop (erf)  }
0x6e: {  	[tilespmem:$0x6B90] =	vst v2  }
0x6f: {  	v0 =	vld.idx.msk [tilespmem:v0+s4+$0x0], $0xffff  }
0x70: {  	v1 =	vld.idx.msk [tilespmem:v1+s24+$0x0], $0xffff;
	_ =	sdelay $0x4  }
0x71: {  	v0 =	vadd.f32 v1, v0;
	_ =	sdelay $0x1  }
0x72: {  	v1 =	vand.u32 $0x7FFFFFFF, v0  }
0x73: {  	v1 =	vadd.f32 v1, v1;
	_ =	sdelay $0x1  }
0x74: {  	v1 =	vmul.f32 $1.442695020e+00, v1;
	_ =	sdelay $0x1  }
0x75: {  	(erf) = vpow2.f32 v1;
	_ =	sdelay $0x8  }
0x76: {  	v1 =	vpop (erf)  }
0x77: {  	v1 =	vadd.f32 $1.000000000e+00, v1;
	_ =	sdelay $0x1  }
0x78: {  	(erf) = vrcp.f32 v1;
	_ =	sdelay $0x8  }
0x79: {  	v1 =	vpop (erf)  }
0x7a: {  	v1 =	vadd.f32 v1, v1;
	_ =	sdelay $0x1  }
0x7b: {  	v1 =	vsub.f32 $1.000000000e+00, v1;
	_ =	sdelay $0x1  }
0x7c: {  	v2 =	vsub.f32 $0.0e+00, v1  }
0x7d: {  	vm14 =	vlt.f32 v0, $0.0e+00  }
0x7e: {  	v0 =	vsel vm14, v2, v1  }
0x7f: {  	v0 =	vmul.f32 $1.442695020e+00, v0;
	_ =	sdelay $0x1  }
0x80: {  	(erf) = vpow2.f32 v0;
	_ =	sdelay $0x2  }
0x81: {  	v0 =	vld [tilespmem:$0x2A30]  }
0x82: {  	v1 =	vld [tilespmem:$0x2B30];
	_ =	sdelay $0x4  }
0x83: {  	v2 =	vpop (erf)  }
0x84: {  	[tilespmem:$0x6BA0] =	vst v2  }
0x85: {  	v0 =	vld.idx.msk [tilespmem:v0+s4+$0x0], $0xffff  }
0x86: {  	v1 =	vld.idx.msk [tilespmem:v1+s24+$0x0], $0xffff;
	_ =	sdelay $0x4  }
0x87: {  	v0 =	vadd.f32 v1, v0;
	_ =	sdelay $0x1  }
0x88: {  	v1 =	vand.u32 $0x7FFFFFFF, v0  }
0x89: {  	v1 =	vadd.f32 v1, v1;
	_ =	sdelay $0x1  }
0x8a: {  	v1 =	vmul.f32 $1.442695020e+00, v1;
	_ =	sdelay $0x1  }
0x8b: {  	(erf) = vpow2.f32 v1;
	_ =	sdelay $0x8  }
0x8c: {  	v1 =	vpop (erf)  }
0x8d: {  	v1 =	vadd.f32 $1.000000000e+00, v1;
	_ =	sdelay $0x1  }
0x8e: {  	(erf) = vrcp.f32 v1;
	_ =	sdelay $0x8  }
0x8f: {  	v1 =	vpop (erf)  }
0x90: {  	v1 =	vadd.f32 v1, v1;
	_ =	sdelay $0x1  }
0x91: {  	v1 =	vsub.f32 $1.000000000e+00, v1;
	_ =	sdelay $0x1  }
0x92: {  	v2 =	vsub.f32 $0.0e+00, v1  }
0x93: {  	vm15 =	vlt.f32 v0, $0.0e+00  }
0x94: {  	v0 =	vsel vm15, v2, v1  }
0x95: {  	v0 =	vmul.f32 $1.442695020e+00, v0;
	_ =	sdelay $0x1  }
0x96: {  	(erf) = vpow2.f32 v0;
	_ =	sdelay $0x8  }
0x97: {  	p1 =	seq.s32 s21, $0x0;
	v0 =	vpop (erf)  }
0x98: {  	s20 =	simm.s32 @!p1 $0x9;
	[tilespmem:$0x6BB0] =	vst v0  }
0x99: {  	_ =	swait.ge @!p1 [sflag:s20], $0x2000  }
0x9a: {  	[sflag:s20] =	ssyncset.done @!p1 $0x0  }
0x9b: {  	s29 =	sshll.u32 s21, $0x7;
	[sflag:s20] =	ssyncadd.s32 @!p1 $0xFFFFE000;
	s20 =	simm.s32 @!p1 $0xA  }
0x9c: {  	s22 =	sadd.s32 s29, s18;
	_ =	swait.ge @!p1 [sflag:s20], $0x40  }
0x9d: {  	s22 =	sshrl.u32 s22, $0x3;
	[sflag:s20] =	ssyncset.done @!p1 $0x0  }
0x9e: {  	s23 =	simm.s32 $0x0;
	s25 =	sadd.s32 s6, s22;
	[sflag:s20] =	ssyncadd.s32 @!p1 $0xFFFFFFC0  }
0x9f: {  	[tilespmem:s1], [sflag:$0x6] =	stream.linear.gather [hbm4b:s25+s23], $0x40, $0x38;
	[tilespmem:$0x1F080] =	vst v63  }
0xa0: {  	s25 =	sadd.s32 s7, s22  }
0xa1: {  	[tilespmem:s0], [sflag:$0x6] =	stream.linear.gather [hbm4b:s25+s23], $0x40, $0x38;
	[tilespmem:$0x1F080] =	vst v63  }
0xa2: {  	s25 =	sadd.s32 s8, s22  }
0xa3: {  	[tilespmem:s5], [sflag:$0x6] =	stream.linear.gather [hbm4b:s25+s23], $0x40, $0x38;
	[tilespmem:$0x1F080] =	vst v63  }
0xa4: {  	_ =	swait.ge [sflag:s11], $0x2000  }
0xa5: {  	[sflag:s11] =	ssyncset.done $0x0  }
0xa6: {  	[sflag:s11] =	ssyncadd.s32 $0xFFFFE000  }
0xa7: {  	_ =	swait.ge [sflag:s12], $0x2000  }
0xa8: {  	[sflag:s12] =	ssyncset.done $0x0  }
0xa9: {  	[sflag:s12] =	ssyncadd.s32 $0xFFFFE000  }
0xaa: {  	_ =	swait.ge [sflag:s13], $0x40  }
0xab: {  	[sflag:s13] =	ssyncset.done $0x0  }
0xac: {  	[sflag:s13] =	ssyncadd.s32 $0xFFFFFFC0  }
0xad: {  	_ =	swait.ge [sflag:s13], $0x40  }
0xae: {  	[sflag:s13] =	ssyncset.done $0x0  }
0xaf: {  	[sflag:s13] =	ssyncadd.s32 $0xFFFFFFC0  }
0xb0: {  	_ =	swait.ge [sflag:s13], $0x40  }
0xb1: {  	[sflag:s13] =	ssyncset.done $0x0  }
0xb2: {  	[sflag:s13] =	ssyncadd.s32 $0xFFFFFFC0  }
0xb3: {  	[tilespmem:s14], [sflag:$0x7] =	stream.indirect.gather [hbm4b:s9+s30], $0x80, s1, s30, $0xb8;
	[tilespmem:$0x1F080] =	vst v63  }
0xb4: {  	v0 =	vmov s23;
	s22 =	simm.s32 $0x8D80;
	s23 =	simm.s32 $0x2BC0  }
0xb5: {  	[tilespmem:s22], [sflag:$0x8] =	stream.indirect.gather [hbm4b:s10+s30], $0x80, s5, s30, $0xb8;
	[tilespmem:$0x1F080] =	vst v63  }
0xb6: {  	s20 =	simm.s32 $0x4BC0;
	v1 =	vld [tilespmem:s23+$0xFFFFFFC0]  }
0xb7: {  	v2 =	vld [tilespmem:s20+$0xFFFFFFC0];
	_ =	sdelay $0x1  }
0xb8: {  	v0 =	vld.idx.msk [tilespmem:v0+s15+$0x0], $0xffff;
	_ =	sdelay $0x2  }
0xb9: {  	v1 =	vadd.f32 v2, v1;
	_ =	sdelay $0x1  }
0xba: {  	v1 =	vmul.f32 v1, v0;
	_ =	sdelay $0x1  }
0xbb: {  	[tilespmem:s23+$0xFFFFFFC0] =	vst v1;
	v1 =	vld [tilespmem:s23+$0xFFFFFFD0]  }
0xbc: {  	v2 =	vld [tilespmem:s20+$0xFFFFFFD0];
	_ =	sdelay $0x4  }
0xbd: {  	v1 =	vadd.f32 v2, v1;
	_ =	sdelay $0x1  }
0xbe: {  	v1 =	vmul.f32 v1, v0;
	_ =	sdelay $0x1  }
0xbf: {  	[tilespmem:s23+$0xFFFFFFD0] =	vst v1;
	v1 =	vld [tilespmem:s23+$0xFFFFFFE0]  }
0xc0: {  	v2 =	vld [tilespmem:s20+$0xFFFFFFE0];
	_ =	sdelay $0x4  }
0xc1: {  	v1 =	vadd.f32 v2, v1;
	_ =	sdelay $0x1  }
0xc2: {  	v1 =	vmul.f32 v1, v0;
	_ =	sdelay $0x1  }
0xc3: {  	[tilespmem:s23+$0xFFFFFFE0] =	vst v1;
	v1 =	vld [tilespmem:s23+$0xFFFFFFF0]  }
0xc4: {  	v2 =	vld [tilespmem:s20+$0xFFFFFFF0];
	_ =	sdelay $0x4  }
0xc5: {  	v1 =	vadd.f32 v2, v1;
	_ =	sdelay $0x1  }
0xc6: {  	v1 =	vmul.f32 v1, v0;
	_ =	sdelay $0x1  }
0xc7: {  	[tilespmem:s23+$0xFFFFFFF0] =	vst v1;
	v1 =	vld [tilespmem:s23+$0x0]  }
0xc8: {  	v2 =	vld [tilespmem:s20+$0x0];
	_ =	sdelay $0x4  }
0xc9: {  	v1 =	vadd.f32 v2, v1;
	_ =	sdelay $0x1  }
0xca: {  	v1 =	vmul.f32 v1, v0;
	_ =	sdelay $0x1  }
0xcb: {  	[tilespmem:s23+$0x0] =	vst v1;
	v1 =	vld [tilespmem:s23+$0x10]  }
0xcc: {  	v2 =	vld [tilespmem:s20+$0x10];
	_ =	sdelay $0x4  }
0xcd: {  	v1 =	vadd.f32 v2, v1;
	_ =	sdelay $0x1  }
0xce: {  	v1 =	vmul.f32 v1, v0;
	_ =	sdelay $0x1  }
0xcf: {  	[tilespmem:s23+$0x10] =	vst v1;
	v1 =	vld [tilespmem:s23+$0x20]  }
0xd0: {  	v2 =	vld [tilespmem:s20+$0x20];
	_ =	sdelay $0x4  }
0xd1: {  	v1 =	vadd.f32 v2, v1;
	_ =	sdelay $0x1  }
0xd2: {  	v1 =	vmul.f32 v1, v0;
	_ =	sdelay $0x1  }
0xd3: {  	[tilespmem:s23+$0x20] =	vst v1;
	v1 =	vld [tilespmem:s23+$0x30]  }
0xd4: {  	v2 =	vld [tilespmem:s20+$0x30];
	_ =	sdelay $0x4  }
0xd5: {  	s25 =	simm.s32 $0x1;
	v2 =	vadd.f32 v2, v1  }
0xd6: {  	s22 =	simm.s32 $0x2BC0;
	v1 =	vmov s25;
	s25 =	simm.s32 $0x2  }
.LBB2_3:
0xd7: {  	p1 =	sne.s32 s25, $0x3F;
	v0 =	vmul.f32 v2, v0  }
0xd8: {  	s23 =	sadd.s32 $0x80, s23  }
0xd9: {  	s20 =	sadd.s32 $0x80, s20;
	v2 =	vld [tilespmem:s23+$0xFFFFFFC0];
	[tilespmem:s22+$0x30] =	vst v0;
	s22 =	smov.u32 s23  }
0xda: {  	v3 =	vld [tilespmem:s20+$0xFFFFFFC0]  }
0xdb: {  	v0 =	vld.idx.msk [tilespmem:v1+s15+$0x0], $0xffff;
	_ =	sdelay $0x3  }
0xdc: {  	v1 =	vadd.f32 v3, v2;
	_ =	sdelay $0x1  }
0xdd: {  	v1 =	vmul.f32 v1, v0;
	_ =	sdelay $0x1  }
0xde: {  	[tilespmem:s23+$0xFFFFFFC0] =	vst v1;
	v1 =	vld [tilespmem:s23+$0xFFFFFFD0]  }
0xdf: {  	v2 =	vld [tilespmem:s20+$0xFFFFFFD0];
	_ =	sdelay $0x4  }
0xe0: {  	v1 =	vadd.f32 v2, v1;
	_ =	sdelay $0x1  }
0xe1: {  	v1 =	vmul.f32 v1, v0;
	_ =	sdelay $0x1  }
0xe2: {  	[tilespmem:s23+$0xFFFFFFD0] =	vst v1;
	v1 =	vld [tilespmem:s23+$0xFFFFFFE0]  }
0xe3: {  	v2 =	vld [tilespmem:s20+$0xFFFFFFE0];
	_ =	sdelay $0x4  }
0xe4: {  	v1 =	vadd.f32 v2, v1;
	_ =	sdelay $0x1  }
0xe5: {  	v1 =	vmul.f32 v1, v0;
	_ =	sdelay $0x1  }
0xe6: {  	[tilespmem:s23+$0xFFFFFFE0] =	vst v1;
	v1 =	vld [tilespmem:s23+$0xFFFFFFF0]  }
0xe7: {  	v2 =	vld [tilespmem:s20+$0xFFFFFFF0];
	_ =	sdelay $0x4  }
0xe8: {  	v1 =	vadd.f32 v2, v1;
	_ =	sdelay $0x1  }
0xe9: {  	v1 =	vmul.f32 v1, v0;
	_ =	sdelay $0x1  }
0xea: {  	[tilespmem:s23+$0xFFFFFFF0] =	vst v1;
	v1 =	vld [tilespmem:s23+$0x0]  }
0xeb: {  	v2 =	vld [tilespmem:s20+$0x0];
	_ =	sdelay $0x4  }
0xec: {  	v1 =	vadd.f32 v2, v1;
	_ =	sdelay $0x1  }
0xed: {  	v1 =	vmul.f32 v1, v0;
	_ =	sdelay $0x1  }
0xee: {  	[tilespmem:s23+$0x0] =	vst v1;
	v1 =	vld [tilespmem:s23+$0x10]  }
0xef: {  	v2 =	vld [tilespmem:s20+$0x10];
	_ =	sdelay $0x4  }
0xf0: {  	v1 =	vadd.f32 v2, v1;
	_ =	sdelay $0x1  }
0xf1: {  	v1 =	vmul.f32 v1, v0;
	_ =	sdelay $0x1  }
0xf2: {  	[tilespmem:s23+$0x10] =	vst v1;
	v1 =	vld [tilespmem:s23+$0x20]  }
0xf3: {  	v2 =	vld [tilespmem:s20+$0x20];
	_ =	sdelay $0x4  }
0xf4: {  	v1 =	vadd.f32 v2, v1;
	_ =	sdelay $0x1  }
0xf5: {  	v1 =	vmul.f32 v1, v0;
	_ =	sdelay $0x1  }
0xf6: {  	[tilespmem:s23+$0x20] =	vst v1;
	v1 =	vld [tilespmem:s23+$0x30]  }
0xf7: {  	v2 =	vld [tilespmem:s20+$0x30];
	_ =	sdelay $0x1  }
.Ltmp0:
0xf8: {  	(pc) =	sbr.rel @p1 .LBB2_3-.Ltmp0, $3  }
0xf9: {  	_ =	sdelay $0x1  }
0xfa: {  	v2 =	vadd.f32 v2, v1  }
0xfb: {  	v1 =	vmov s25;
	s25 =	sadd.s32 $0x1, s25  }
0xfc: {  	v0 =	vmul.f32 v2, v0  }
0xfd: {  	s23 =	sadd.s32 $0x80, s23  }
0xfe: {  	s20 =	sadd.s32 $0x80, s20;
	v2 =	vld [tilespmem:s23+$0xFFFFFFC0];
	[tilespmem:s22+$0x30] =	vst v0  }
0xff: {  	v0 =	vld [tilespmem:s20+$0xFFFFFFC0];
	_ =	sdelay $0x1  }
0x100: {  	v1 =	vld.idx.msk [tilespmem:v1+s15+$0x0], $0xffff;
	_ =	sdelay $0x2  }
0x101: {  	v0 =	vadd.f32 v0, v2;
	_ =	sdelay $0x1  }
0x102: {  	v0 =	vmul.f32 v0, v1;
	_ =	sdelay $0x1  }
0x103: {  	[tilespmem:s23+$0xFFFFFFC0] =	vst v0;
	v0 =	vld [tilespmem:s23+$0xFFFFFFD0]  }
0x104: {  	v2 =	vld [tilespmem:s20+$0xFFFFFFD0];
	_ =	sdelay $0x4  }
0x105: {  	v0 =	vadd.f32 v2, v0;
	_ =	sdelay $0x1  }
0x106: {  	v0 =	vmul.f32 v0, v1;
	_ =	sdelay $0x1  }
0x107: {  	[tilespmem:s23+$0xFFFFFFD0] =	vst v0;
	v0 =	vld [tilespmem:s23+$0xFFFFFFE0]  }
0x108: {  	v2 =	vld [tilespmem:s20+$0xFFFFFFE0];
	_ =	sdelay $0x4  }
0x109: {  	v0 =	vadd.f32 v2, v0;
	_ =	sdelay $0x1  }
0x10a: {  	v0 =	vmul.f32 v0, v1;
	_ =	sdelay $0x1  }
0x10b: {  	[tilespmem:s23+$0xFFFFFFE0] =	vst v0;
	v0 =	vld [tilespmem:s23+$0xFFFFFFF0]  }
0x10c: {  	v2 =	vld [tilespmem:s20+$0xFFFFFFF0];
	_ =	sdelay $0x4  }
0x10d: {  	v0 =	vadd.f32 v2, v0;
	_ =	sdelay $0x1  }
0x10e: {  	v0 =	vmul.f32 v0, v1;
	_ =	sdelay $0x1  }
0x10f: {  	[tilespmem:s23+$0xFFFFFFF0] =	vst v0;
	v0 =	vld [tilespmem:s23+$0x0]  }
0x110: {  	v2 =	vld [tilespmem:s20+$0x0];
	_ =	sdelay $0x4  }
0x111: {  	v0 =	vadd.f32 v2, v0;
	_ =	sdelay $0x1  }
0x112: {  	v0 =	vmul.f32 v0, v1;
	_ =	sdelay $0x1  }
0x113: {  	[tilespmem:s23+$0x0] =	vst v0;
	v0 =	vld [tilespmem:s23+$0x10]  }
0x114: {  	v2 =	vld [tilespmem:s20+$0x10];
	_ =	sdelay $0x4  }
0x115: {  	v0 =	vadd.f32 v2, v0;
	_ =	sdelay $0x1  }
0x116: {  	v0 =	vmul.f32 v0, v1;
	_ =	sdelay $0x1  }
0x117: {  	[tilespmem:s23+$0x10] =	vst v0;
	v0 =	vld [tilespmem:s23+$0x20]  }
0x118: {  	v2 =	vld [tilespmem:s20+$0x20];
	_ =	sdelay $0x4  }
0x119: {  	v0 =	vadd.f32 v2, v0;
	_ =	sdelay $0x1  }
0x11a: {  	v0 =	vmul.f32 v0, v1;
	_ =	sdelay $0x1  }
0x11b: {  	[tilespmem:s23+$0x20] =	vst v0;
	v0 =	vld [tilespmem:s23+$0x30]  }
0x11c: {  	v2 =	vld [tilespmem:s20+$0x30];
	_ =	sdelay $0x4  }
0x11d: {  	v0 =	vadd.f32 v2, v0;
	_ =	sdelay $0x1  }
0x11e: {  	v0 =	vmul.f32 v0, v1;
	_ =	sdelay $0x1  }
0x11f: {  	[tilespmem:s23+$0x30] =	vst v0  }
0x120: {  	[spmem:s2] =	stream.indirect.scatter.add.f32 [tilespmem:s31], [sflag:$0x4], $0x80, s26, s30, $0xb8;
	[tilespmem:$0x1F080] =	vst v63  }
0x121: {  	_ = 	snop  }
0x122: {  	[spmem:s3] =	stream.indirect.scatter.add.f32 [tilespmem:s15], [sflag:$0x5], $0x1, s26, s30, $0xb8;
	[tilespmem:$0x1F080] =	vst v63  }
0x123: {  	v0 =	vld [tilespmem:$0x6C00]  }
0x124: {  	v1 =	vld [tilespmem:$0x6D00];
	_ =	sdelay $0x6  }
0x125: {  	v0 =	vld.idx.msk [tilespmem:v0+s4+$0x0], $0xffff  }
0x126: {  	v1 =	vld.idx.msk [tilespmem:v1+s24+$0x0], $0xffff;
	_ =	sdelay $0x4  }
0x127: {  	v0 =	vadd.f32 v1, v0;
	_ =	sdelay $0x1  }
0x128: {  	v1 =	vand.u32 $0x7FFFFFFF, v0  }
0x129: {  	v1 =	vadd.f32 v1, v1;
	_ =	sdelay $0x1  }
0x12a: {  	v1 =	vmul.f32 $1.442695020e+00, v1;
	_ =	sdelay $0x1  }
0x12b: {  	(erf) = vpow2.f32 v1;
	_ =	sdelay $0x8  }
0x12c: {  	v1 =	vpop (erf)  }
0x12d: {  	v1 =	vadd.f32 $1.000000000e+00, v1;
	_ =	sdelay $0x1  }
0x12e: {  	(erf) = vrcp.f32 v1;
	_ =	sdelay $0x8  }
0x12f: {  	v1 =	vpop (erf)  }
0x130: {  	v1 =	vadd.f32 v1, v1;
	_ =	sdelay $0x1  }
0x131: {  	v1 =	vsub.f32 $1.000000000e+00, v1;
	_ =	sdelay $0x1  }
0x132: {  	v2 =	vsub.f32 $0.0e+00, v1  }
0x133: {  	vm0 =	vlt.f32 v0, $0.0e+00  }
0x134: {  	v0 =	vsel vm0, v2, v1  }
0x135: {  	v0 =	vmul.f32 $1.442695020e+00, v0;
	_ =	sdelay $0x1  }
0x136: {  	(erf) = vpow2.f32 v0;
	_ =	sdelay $0x2  }
0x137: {  	v0 =	vld [tilespmem:$0x6C10]  }
0x138: {  	v1 =	vld [tilespmem:$0x6D10];
	_ =	sdelay $0x4  }
0x139: {  	v2 =	vpop (erf)  }
0x13a: {  	[tilespmem:$0xAD80] =	vst v2  }
0x13b: {  	v0 =	vld.idx.msk [tilespmem:v0+s4+$0x0], $0xffff  }
0x13c: {  	v1 =	vld.idx.msk [tilespmem:v1+s24+$0x0], $0xffff;
	_ =	sdelay $0x4  }
0x13d: {  	v0 =	vadd.f32 v1, v0;
	_ =	sdelay $0x1  }
0x13e: {  	v1 =	vand.u32 $0x7FFFFFFF, v0  }
0x13f: {  	v1 =	vadd.f32 v1, v1;
	_ =	sdelay $0x1  }
0x140: {  	v1 =	vmul.f32 $1.442695020e+00, v1;
	_ =	sdelay $0x1  }
0x141: {  	(erf) = vpow2.f32 v1;
	_ =	sdelay $0x8  }
0x142: {  	v1 =	vpop (erf)  }
0x143: {  	v1 =	vadd.f32 $1.000000000e+00, v1;
	_ =	sdelay $0x1  }
0x144: {  	(erf) = vrcp.f32 v1;
	_ =	sdelay $0x8  }
0x145: {  	v1 =	vpop (erf)  }
0x146: {  	v1 =	vadd.f32 v1, v1;
	_ =	sdelay $0x1  }
0x147: {  	v1 =	vsub.f32 $1.000000000e+00, v1;
	_ =	sdelay $0x1  }
0x148: {  	v2 =	vsub.f32 $0.0e+00, v1  }
0x149: {  	vm13 =	vlt.f32 v0, $0.0e+00  }
0x14a: {  	v0 =	vsel vm13, v2, v1  }
0x14b: {  	v0 =	vmul.f32 $1.442695020e+00, v0;
	_ =	sdelay $0x1  }
0x14c: {  	(erf) = vpow2.f32 v0;
	_ =	sdelay $0x2  }
0x14d: {  	v0 =	vld [tilespmem:$0x6C20]  }
0x14e: {  	v1 =	vld [tilespmem:$0x6D20];
	_ =	sdelay $0x4  }
0x14f: {  	v2 =	vpop (erf)  }
0x150: {  	[tilespmem:$0xAD90] =	vst v2  }
0x151: {  	v0 =	vld.idx.msk [tilespmem:v0+s4+$0x0], $0xffff  }
0x152: {  	v1 =	vld.idx.msk [tilespmem:v1+s24+$0x0], $0xffff;
	_ =	sdelay $0x4  }
0x153: {  	v0 =	vadd.f32 v1, v0;
	_ =	sdelay $0x1  }
0x154: {  	v1 =	vand.u32 $0x7FFFFFFF, v0  }
0x155: {  	v1 =	vadd.f32 v1, v1;
	_ =	sdelay $0x1  }
0x156: {  	v1 =	vmul.f32 $1.442695020e+00, v1;
	_ =	sdelay $0x1  }
0x157: {  	(erf) = vpow2.f32 v1;
	_ =	sdelay $0x8  }
0x158: {  	v1 =	vpop (erf)  }
0x159: {  	v1 =	vadd.f32 $1.000000000e+00, v1;
	_ =	sdelay $0x1  }
0x15a: {  	(erf) = vrcp.f32 v1;
	_ =	sdelay $0x8  }
0x15b: {  	v1 =	vpop (erf)  }
0x15c: {  	v1 =	vadd.f32 v1, v1;
	_ =	sdelay $0x1  }
0x15d: {  	v1 =	vsub.f32 $1.000000000e+00, v1;
	_ =	sdelay $0x1  }
0x15e: {  	v2 =	vsub.f32 $0.0e+00, v1  }
0x15f: {  	vm14 =	vlt.f32 v0, $0.0e+00  }
0x160: {  	v0 =	vsel vm14, v2, v1  }
0x161: {  	v0 =	vmul.f32 $1.442695020e+00, v0;
	_ =	sdelay $0x1  }
0x162: {  	(erf) = vpow2.f32 v0;
	_ =	sdelay $0x2  }
0x163: {  	v0 =	vld [tilespmem:$0x6C30]  }
0x164: {  	v1 =	vld [tilespmem:$0x6D30];
	_ =	sdelay $0x4  }
0x165: {  	v2 =	vpop (erf)  }
0x166: {  	[tilespmem:$0xADA0] =	vst v2  }
0x167: {  	v0 =	vld.idx.msk [tilespmem:v0+s4+$0x0], $0xffff  }
0x168: {  	v1 =	vld.idx.msk [tilespmem:v1+s24+$0x0], $0xffff;
	_ =	sdelay $0x4  }
0x169: {  	v0 =	vadd.f32 v1, v0;
	_ =	sdelay $0x1  }
0x16a: {  	v1 =	vand.u32 $0x7FFFFFFF, v0  }
0x16b: {  	v1 =	vadd.f32 v1, v1;
	_ =	sdelay $0x1  }
0x16c: {  	v1 =	vmul.f32 $1.442695020e+00, v1;
	_ =	sdelay $0x1  }
0x16d: {  	(erf) = vpow2.f32 v1;
	_ =	sdelay $0x8  }
0x16e: {  	v1 =	vpop (erf)  }
0x16f: {  	v1 =	vadd.f32 $1.000000000e+00, v1;
	_ =	sdelay $0x1  }
0x170: {  	(erf) = vrcp.f32 v1;
	_ =	sdelay $0x8  }
0x171: {  	v1 =	vpop (erf)  }
0x172: {  	v1 =	vadd.f32 v1, v1;
	_ =	sdelay $0x1  }
0x173: {  	v1 =	vsub.f32 $1.000000000e+00, v1;
	_ =	sdelay $0x1  }
0x174: {  	v2 =	vsub.f32 $0.0e+00, v1  }
0x175: {  	vm15 =	vlt.f32 v0, $0.0e+00  }
0x176: {  	v0 =	vsel vm15, v2, v1  }
0x177: {  	v0 =	vmul.f32 $1.442695020e+00, v0;
	_ =	sdelay $0x1  }
0x178: {  	(erf) = vpow2.f32 v0;
	_ =	sdelay $0x8  }
0x179: {  	v0 =	vpop (erf)  }
0x17a: {  	[tilespmem:$0xADB0] =	vst v0  }
0x17b: {  	_ =	swait.ge [sflag:s28], $0x2000  }
0x17c: {  	[sflag:s28] =	ssyncset.done $0x0  }
0x17d: {  	[sflag:s28] =	ssyncadd.s32 $0xFFFFE000  }
0x17e: {  	_ =	swait.ge [sflag:s16], $0x40  }
0x17f: {  	p1 =	seq.s32 s21, $0x4F;
	[sflag:s16] =	ssyncset.done $0x0  }
0x180: {  	s20 =	simm.s32 @p1 $0x7;
	[sflag:s16] =	ssyncadd.s32 $0xFFFFFFC0  }
0x181: {  	_ =	swait.ge @p1 [sflag:s20], $0x2000  }
0x182: {  	[sflag:s20] =	ssyncset.done @p1 $0x0  }
0x183: {  	[sflag:s20] =	ssyncadd.s32 @p1 $0xFFFFE000;
	s20 =	simm.s32 @p1 $0x8  }
0x184: {  	_ =	swait.ge @p1 [sflag:s20], $0x2000  }
0x185: {  	s22 =	sadd.s32 @!p1 s29, s19;
	[sflag:s20] =	ssyncset.done @p1 $0x0  }
0x186: {  	[sflag:s20] =	ssyncadd.s32 @p1 $0xFFFFE000;
	s20 =	sshrl.u32 @!p1 s22, $0x3  }
0x187: {  	s25 =	simm.s32 @!p1 $0x2A00;
	s23 =	simm.s32 @!p1 $0x0;
	s22 =	sadd.s32 @!p1 s6, s20  }
0x188: {  	[tilespmem:s25], [sflag:$0x1] =	stream.linear.gather @!p1 [hbm4b:s22+s23], $0x40, $0x38;
	[tilespmem:$0x1F080] =	vst v63  }
0x189: {  	s29 =	simm.s32 @!p1 $0x2A80;
	s22 =	sadd.s32 @!p1 s7, s20  }
0x18a: {  	[tilespmem:s29], [sflag:$0x1] =	stream.linear.gather @!p1 [hbm4b:s22+s23], $0x40, $0x38;
	[tilespmem:$0x1F080] =	vst v63  }
0x18b: {  	s20 =	sadd.s32 @!p1 s8, s20;
	s22 =	simm.s32 @!p1 $0x2B00  }
0x18c: {  	[tilespmem:s22], [sflag:$0x1] =	stream.linear.gather @!p1 [hbm4b:s20+s23], $0x40, $0x38;
	[tilespmem:$0x1F080] =	vst v63  }
0x18d: {  	s20 =	simm.s32 @!p1 $0x7  }
0x18e: {  	_ =	swait.ge @!p1 [sflag:s20], $0x2000  }
0x18f: {  	[sflag:s20] =	ssyncset.done @!p1 $0x0  }
0x190: {  	[sflag:s20] =	ssyncadd.s32 @!p1 $0xFFFFE000;
	s20 =	simm.s32 @!p1 $0x8  }
0x191: {  	_ =	swait.ge @!p1 [sflag:s20], $0x2000  }
0x192: {  	[sflag:s20] =	ssyncset.done @!p1 $0x0  }
0x193: {  	[sflag:s20] =	ssyncadd.s32 @!p1 $0xFFFFE000;
	s20 =	simm.s32 @!p1 $0x1  }
0x194: {  	_ =	swait.ge @!p1 [sflag:s20], $0x40  }
0x195: {  	[sflag:s20] =	ssyncset.done @!p1 $0x0  }
0x196: {  	[sflag:s20] =	ssyncadd.s32 @!p1 $0xFFFFFFC0  }
0x197: {  	_ =	swait.ge @!p1 [sflag:s20], $0x40  }
0x198: {  	[sflag:s20] =	ssyncset.done @!p1 $0x0  }
0x199: {  	[sflag:s20] =	ssyncadd.s32 @!p1 $0xFFFFFFC0  }
0x19a: {  	_ =	swait.ge @!p1 [sflag:s20], $0x40  }
0x19b: {  	[sflag:s20] =	ssyncset.done @!p1 $0x0  }
0x19c: {  	s23 =	simm.s32 @!p1 $0x2B80;
	[sflag:s20] =	ssyncadd.s32 @!p1 $0xFFFFFFC0;
	s20 =	simm.s32 @!p1 $0x40  }
0x19d: {  	[tilespmem:s23], [sflag:$0x2] =	stream.indirect.gather @!p1 [hbm4b:s9+s20], $0x80, s25, s20, $0xb8;
	[tilespmem:$0x1F080] =	vst v63  }
0x19e: {  	s29 =	simm.s32 $0x0;
	s23 =	simm.s32 @!p1 $0x4B80  }
0x19f: {  	v0 =	vmov s29;
	[tilespmem:s23], [sflag:$0x3] =	stream.indirect.gather @!p1 [hbm4b:s10+s20], $0x80, s22, s20, $0xb8;
	[tilespmem:$0x1F080] =	vst v63  }
0x1a0: {  	s23 =	simm.s32 $0x6DC0  }
0x1a1: {  	s20 =	simm.s32 $0x8DC0;
	v1 =	vld [tilespmem:s23+$0xFFFFFFC0]  }
0x1a2: {  	v2 =	vld [tilespmem:s20+$0xFFFFFFC0];
	_ =	sdelay $0x1  }
0x1a3: {  	v0 =	vld.idx.msk [tilespmem:v0+s17+$0x0], $0xffff;
	_ =	sdelay $0x2  }
0x1a4: {  	v1 =	vadd.f32 v2, v1;
	_ =	sdelay $0x1  }
0x1a5: {  	v1 =	vmul.f32 v1, v0;
	_ =	sdelay $0x1  }
0x1a6: {  	[tilespmem:s23+$0xFFFFFFC0] =	vst v1;
	v1 =	vld [tilespmem:s23+$0xFFFFFFD0]  }
0x1a7: {  	v2 =	vld [tilespmem:s20+$0xFFFFFFD0];
	_ =	sdelay $0x4  }
0x1a8: {  	v1 =	vadd.f32 v2, v1;
	_ =	sdelay $0x1  }
0x1a9: {  	v1 =	vmul.f32 v1, v0;
	_ =	sdelay $0x1  }
0x1aa: {  	[tilespmem:s23+$0xFFFFFFD0] =	vst v1;
	v1 =	vld [tilespmem:s23+$0xFFFFFFE0]  }
0x1ab: {  	v2 =	vld [tilespmem:s20+$0xFFFFFFE0];
	_ =	sdelay $0x4  }
0x1ac: {  	v1 =	vadd.f32 v2, v1;
	_ =	sdelay $0x1  }
0x1ad: {  	v1 =	vmul.f32 v1, v0;
	_ =	sdelay $0x1  }
0x1ae: {  	[tilespmem:s23+$0xFFFFFFE0] =	vst v1;
	v1 =	vld [tilespmem:s23+$0xFFFFFFF0]  }
0x1af: {  	v2 =	vld [tilespmem:s20+$0xFFFFFFF0];
	_ =	sdelay $0x4  }
0x1b0: {  	v1 =	vadd.f32 v2, v1;
	_ =	sdelay $0x1  }
0x1b1: {  	v1 =	vmul.f32 v1, v0;
	_ =	sdelay $0x1  }
0x1b2: {  	[tilespmem:s23+$0xFFFFFFF0] =	vst v1;
	v1 =	vld [tilespmem:s23+$0x0]  }
0x1b3: {  	v2 =	vld [tilespmem:s20+$0x0];
	_ =	sdelay $0x4  }
0x1b4: {  	v1 =	vadd.f32 v2, v1;
	_ =	sdelay $0x1  }
0x1b5: {  	v1 =	vmul.f32 v1, v0;
	_ =	sdelay $0x1  }
0x1b6: {  	[tilespmem:s23+$0x0] =	vst v1;
	v1 =	vld [tilespmem:s23+$0x10]  }
0x1b7: {  	v2 =	vld [tilespmem:s20+$0x10];
	_ =	sdelay $0x4  }
0x1b8: {  	v1 =	vadd.f32 v2, v1;
	_ =	sdelay $0x1  }
0x1b9: {  	v1 =	vmul.f32 v1, v0;
	_ =	sdelay $0x1  }
0x1ba: {  	[tilespmem:s23+$0x10] =	vst v1;
	v1 =	vld [tilespmem:s23+$0x20]  }
0x1bb: {  	v2 =	vld [tilespmem:s20+$0x20];
	_ =	sdelay $0x4  }
0x1bc: {  	v1 =	vadd.f32 v2, v1;
	_ =	sdelay $0x1  }
0x1bd: {  	v1 =	vmul.f32 v1, v0;
	_ =	sdelay $0x1  }
0x1be: {  	[tilespmem:s23+$0x20] =	vst v1;
	v1 =	vld [tilespmem:s23+$0x30]  }
0x1bf: {  	v2 =	vld [tilespmem:s20+$0x30];
	_ =	sdelay $0x4  }
0x1c0: {  	s29 =	simm.s32 $0x1;
	v2 =	vadd.f32 v2, v1  }
0x1c1: {  	s25 =	simm.s32 $0x2;
	s22 =	simm.s32 $0x6DC0;
	v1 =	vmov s29  }
.LBB2_5:
0x1c2: {  	p1 =	sne.s32 s25, $0x3F;
	v0 =	vmul.f32 v2, v0  }
0x1c3: {  	s23 =	sadd.s32 $0x80, s23  }
0x1c4: {  	s20 =	sadd.s32 $0x80, s20;
	v2 =	vld [tilespmem:s23+$0xFFFFFFC0];
	[tilespmem:s22+$0x30] =	vst v0;
	s22 =	smov.u32 s23  }
0x1c5: {  	v3 =	vld [tilespmem:s20+$0xFFFFFFC0]  }
0x1c6: {  	v0 =	vld.idx.msk [tilespmem:v1+s17+$0x0], $0xffff;
	_ =	sdelay $0x3  }
0x1c7: {  	v1 =	vadd.f32 v3, v2;
	_ =	sdelay $0x1  }
0x1c8: {  	v1 =	vmul.f32 v1, v0;
	_ =	sdelay $0x1  }
0x1c9: {  	[tilespmem:s23+$0xFFFFFFC0] =	vst v1;
	v1 =	vld [tilespmem:s23+$0xFFFFFFD0]  }
0x1ca: {  	v2 =	vld [tilespmem:s20+$0xFFFFFFD0];
	_ =	sdelay $0x4  }
0x1cb: {  	v1 =	vadd.f32 v2, v1;
	_ =	sdelay $0x1  }
0x1cc: {  	v1 =	vmul.f32 v1, v0;
	_ =	sdelay $0x1  }
0x1cd: {  	[tilespmem:s23+$0xFFFFFFD0] =	vst v1;
	v1 =	vld [tilespmem:s23+$0xFFFFFFE0]  }
0x1ce: {  	v2 =	vld [tilespmem:s20+$0xFFFFFFE0];
	_ =	sdelay $0x4  }
0x1cf: {  	v1 =	vadd.f32 v2, v1;
	_ =	sdelay $0x1  }
0x1d0: {  	v1 =	vmul.f32 v1, v0;
	_ =	sdelay $0x1  }
0x1d1: {  	[tilespmem:s23+$0xFFFFFFE0] =	vst v1;
	v1 =	vld [tilespmem:s23+$0xFFFFFFF0]  }
0x1d2: {  	v2 =	vld [tilespmem:s20+$0xFFFFFFF0];
	_ =	sdelay $0x4  }
0x1d3: {  	v1 =	vadd.f32 v2, v1;
	_ =	sdelay $0x1  }
0x1d4: {  	v1 =	vmul.f32 v1, v0;
	_ =	sdelay $0x1  }
0x1d5: {  	[tilespmem:s23+$0xFFFFFFF0] =	vst v1;
	v1 =	vld [tilespmem:s23+$0x0]  }
0x1d6: {  	v2 =	vld [tilespmem:s20+$0x0];
	_ =	sdelay $0x4  }
0x1d7: {  	v1 =	vadd.f32 v2, v1;
	_ =	sdelay $0x1  }
0x1d8: {  	v1 =	vmul.f32 v1, v0;
	_ =	sdelay $0x1  }
0x1d9: {  	[tilespmem:s23+$0x0] =	vst v1;
	v1 =	vld [tilespmem:s23+$0x10]  }
0x1da: {  	v2 =	vld [tilespmem:s20+$0x10];
	_ =	sdelay $0x4  }
0x1db: {  	v1 =	vadd.f32 v2, v1;
	_ =	sdelay $0x1  }
0x1dc: {  	v1 =	vmul.f32 v1, v0;
	_ =	sdelay $0x1  }
0x1dd: {  	[tilespmem:s23+$0x10] =	vst v1;
	v1 =	vld [tilespmem:s23+$0x20]  }
0x1de: {  	v2 =	vld [tilespmem:s20+$0x20];
	_ =	sdelay $0x4  }
0x1df: {  	v1 =	vadd.f32 v2, v1;
	_ =	sdelay $0x1  }
0x1e0: {  	v1 =	vmul.f32 v1, v0;
	_ =	sdelay $0x1  }
0x1e1: {  	[tilespmem:s23+$0x20] =	vst v1;
	v1 =	vld [tilespmem:s23+$0x30]  }
0x1e2: {  	v2 =	vld [tilespmem:s20+$0x30];
	_ =	sdelay $0x1  }
.Ltmp1:
0x1e3: {  	(pc) =	sbr.rel @p1 .LBB2_5-.Ltmp1, $3  }
0x1e4: {  	_ =	sdelay $0x1  }
0x1e5: {  	v2 =	vadd.f32 v2, v1  }
0x1e6: {  	v1 =	vmov s25;
	s25 =	sadd.s32 $0x1, s25  }
0x1e7: {  	v0 =	vmul.f32 v2, v0  }
0x1e8: {  	s23 =	sadd.s32 $0x80, s23  }
0x1e9: {  	s20 =	sadd.s32 $0x80, s20;
	v49 =	vld [tilespmem:s23+$0xFFFFFFC0];
	[tilespmem:s22+$0x30] =	vst v0  }
0x1ea: {  	v0 =	vld [tilespmem:s20+$0xFFFFFFC0];
	_ =	sdelay $0x1  }
0x1eb: {  	v1 =	vld.idx.msk [tilespmem:v1+s17+$0x0], $0xffff;
	_ =	sdelay $0x2  }
0x1ec: {  	v0 =	vadd.f32 v0, v49;
	_ =	sdelay $0x1  }
0x1ed: {  	v0 =	vmul.f32 v0, v1;
	_ =	sdelay $0x1  }
0x1ee: {  	v50 =	vld [tilespmem:s23+$0xFFFFFFD0];
	[tilespmem:s23+$0xFFFFFFC0] =	vst v0  }
0x1ef: {  	v51 =	vld [tilespmem:s20+$0xFFFFFFD0];
	_ =	sdelay $0x4  }
0x1f0: {  	v0 =	vadd.f32 v51, v50;
	_ =	sdelay $0x1  }
0x1f1: {  	v0 =	vmul.f32 v0, v1;
	_ =	sdelay $0x1  }
0x1f2: {  	v52 =	vld [tilespmem:s23+$0xFFFFFFE0];
	[tilespmem:s23+$0xFFFFFFD0] =	vst v0  }
0x1f3: {  	v53 =	vld [tilespmem:s20+$0xFFFFFFE0];
	_ =	sdelay $0x4  }
0x1f4: {  	v0 =	vadd.f32 v53, v52;
	_ =	sdelay $0x1  }
0x1f5: {  	v0 =	vmul.f32 v0, v1;
	_ =	sdelay $0x1  }
0x1f6: {  	v54 =	vld [tilespmem:s23+$0xFFFFFFF0];
	[tilespmem:s23+$0xFFFFFFE0] =	vst v0  }
0x1f7: {  	v55 =	vld [tilespmem:s20+$0xFFFFFFF0];
	_ =	sdelay $0x4  }
0x1f8: {  	v0 =	vadd.f32 v55, v54;
	_ =	sdelay $0x1  }
0x1f9: {  	v0 =	vmul.f32 v0, v1;
	_ =	sdelay $0x1  }
0x1fa: {  	v56 =	vld [tilespmem:s23+$0x0];
	[tilespmem:s23+$0xFFFFFFF0] =	vst v0  }
0x1fb: {  	v57 =	vld [tilespmem:s20+$0x0];
	_ =	sdelay $0x4  }
0x1fc: {  	v0 =	vadd.f32 v57, v56;
	_ =	sdelay $0x1  }
0x1fd: {  	v0 =	vmul.f32 v0, v1;
	_ =	sdelay $0x1  }
0x1fe: {  	v58 =	vld [tilespmem:s23+$0x10];
	[tilespmem:s23+$0x0] =	vst v0  }
0x1ff: {  	v59 =	vld [tilespmem:s20+$0x10];
	_ =	sdelay $0x4  }
0x200: {  	v0 =	vadd.f32 v59, v58;
	_ =	sdelay $0x1  }
0x201: {  	v0 =	vmul.f32 v0, v1;
	_ =	sdelay $0x1  }
0x202: {  	v60 =	vld [tilespmem:s23+$0x20];
	[tilespmem:s23+$0x10] =	vst v0  }
0x203: {  	v61 =	vld [tilespmem:s20+$0x20];
	_ =	sdelay $0x4  }
0x204: {  	v0 =	vadd.f32 v61, v60;
	_ =	sdelay $0x1  }
0x205: {  	v0 =	vmul.f32 v0, v1;
	_ =	sdelay $0x1  }
0x206: {  	v62 =	vld [tilespmem:s23+$0x30];
	[tilespmem:s23+$0x20] =	vst v0  }
0x207: {  	v63 =	vld [tilespmem:s20+$0x30];
	_ =	sdelay $0x4  }
0x208: {  	v0 =	vadd.f32 v63, v62  }
0x209: {  	s21 =	sadd.s32 $0x1, s21  }
0x20a: {  	p1 =	sne.s32 s21, $0x50;
	v0 =	vmul.f32 v0, v1  }
.Ltmp2:
0x20b: {  	_ = 	snop;
	(pc) =	sbr.rel @p1 .LBB2_2-.Ltmp2, $4  }
0x20c: {  	[tilespmem:s23+$0x30] =	vst v0  }
0x20d: {  	[spmem:s2] =	stream.indirect.scatter.add.f32 [tilespmem:s14], [sflag:$0x9], $0x80, s0, s30, $0xb8;
	[tilespmem:$0x1F080] =	vst v63  }
0x20e: {  	_ = 	snop  }
0x20f: {  	[spmem:s3] =	stream.indirect.scatter.add.f32 [tilespmem:s17], [sflag:$0xA], $0x1, s0, s30, $0xb8;
	[tilespmem:$0x1F080] =	vst v63  }
0x210: {  	s20 =	simm.s32 $0x9  }
0x211: {  	_ =	swait.ge [sflag:s20], $0x2000  }
0x212: {  	[sflag:s20] =	ssyncset.done $0x0  }
0x213: {  	s21 =	simm.s32 $0xA;
	[sflag:s20] =	ssyncadd.s32 $0xFFFFE000  }
0x214: {  	_ =	swait.ge [sflag:s21], $0x40  }
0x215: {  	[sflag:s21] =	ssyncset.done $0x0  }
0x216: {  	[sflag:s21] =	ssyncadd.s32 $0xFFFFFFC0  }
0x217: {  	[bflag:$0x0] =	sbarrier.arrive $0xFFFF  }
0x218: {  	s22 =	rddreg [dreg:$0xc]  }
0x219: {  	s29 =	rddreg [dreg:$0x10]  }
0x21a: {  	s25 =	simm.s32 $0xB;
	s21 =	rddreg [dreg:$0x12]  }
0x21b: {  	[hbm:s22], [sflag:s29] =	dma.local [spmem:s21], $0x2800  }
0x21c: {  	s20 =	simm.s32 @!p0 $0x1;
	_ =	swait.ge [sflag:s25], $0x2800  }
0x21d: {  	s21 =	simm.s32 @!p0 $0x20;
	[sflag:s25] =	ssyncset.done $0x0;
	s23 =	rddreg [dreg:$0xd]  }
0x21e: {  	s22 =	simm.s32 @!p0 $0x10;
	s31 =	rddreg [dreg:$0x11];
	[sflag:s25] =	ssyncadd.s32 $0xFFFFD800  }
0x21f: {  	[hbm:s23@s21], [sflag:s29] =	dma.strided @!p0 [spmem:s31@s22], $0x500, s20, $0x10   }
0x220: {  	s20 =	simm.s32 @!p0 $0xB  }
0x221: {  	_ =	swait.ge @!p0 [sflag:s20], $0x500  }
0x222: {  	s23 =	rddreg [dreg:$0xf]  }
0x223: {  	s29 =	rddreg [dreg:$0xe];
	s22 =	sadd.s32 $0x1, s23  }
0x224: {  	p1 =	sne.s32 s22, s29  }
.Ltmp3:
0x225: {  	_ = 	snop;
	(pc) =	sbr.rel @p1 .LBB2_1-.Ltmp3, $3  }
0x226: {  	_ =	sdelay $0x1  }
0x227: {  	[sflag:s20] =	ssyncset.done @!p0 $0x0  }
0x228: {  	s31 =	simm.s32 $0x2B80;
	[sflag:s20] =	ssyncadd.s32 @!p0 $0xFFFFFB00  }
0x229: {  	_ =	sfence.sel $0x180000  }
0x22a: {  	[bflag:$0x0] =	sbarrier.arrive $0xFFFF  }
0x22b: {  	_ =	strace $0x9000004A  }
0x22c: {  	[bflag:$0x2] =	sbarrier.arrive $0xFFFF  }
0x22d: {  	s0 =	rddreg [dreg:$0x4]  }
0x22e: {  	s0 =	sadd.s32 @!p0 $0x100000, s0  }
0x22f: {  	[sflag:s0] =	ssyncadd.tile.s32 @!p0 $0x1;
	_ =	shalt  }
.Lfunc_end2:
_tile_overlayer_lowered:
.L_overlay_start_2:
0x230: {  	(tag) =	ssettag $0x2  }
0x231: {  	s0 =	rddreg [dreg:$0x0];
	s2 =	stileid.u32  }
0x232: {  	s1 =	rddreg [dreg:$0x1];
	p0 =	sne.s32 s2, $0x0  }
0x233: {  	s3 =	rddreg [dreg:$0x2];
	[bflag:$0x3] =	sbarrier.arrive $0xFFFF;
	s2 =	simm.s32 @!p0 $0x1C0B  }
0x234: {  	[timem:s3], [sflag:s2] =	dma.local @!p0 [hbm:s0], s1  }
0x235: {  	s0 =	simm.s32 @!p0 $0xB  }
0x236: {  	_ =	swait.ge @!p0 [sflag:s0], s1  }
0x237: {  	s1 =	ssub.s32 @!p0 $0x0, s1;
	[sflag:s0] =	ssyncset.done @!p0 $0x0  }
0x238: {  	[sflag:s0] =	ssyncadd.s32 @!p0 s1  }
0x239: {  	[bflag:$0x3] =	sbarrier.arrive $0xFFFF  }
0x23a: {  	_ =	shalt  }

// kernel: kernel.8.cloned.1.call-start
scs
__scs_entry_jumppad:
0x0: {  	(pc) =	sbr.rel $0x88, $3  }
0x1: {  	(tag) =	ssettag $0x0;
	lr =	simm.s32 $0x1  }
0x2: {  	[smem:$0x3F92] =	sst lr;
	_ =	strace $0xD0000000  }
0x3: {  	_ = 	snop  }
0x4: {  	_ = 	snop  }
0x5: {  	_ = 	snop  }
0x6: {  	_ = 	snop  }
0x7: {  	_ = 	snop  }
__scs_overlays_trampoline_lowered:
0x8: {  	[smem:$0x3FA1] =	sst s0  }
0x9: {  	[smem:$0x3FA2] =	sst s1  }
0xa: {  	[smem:$0x3FA3] =	sst s2  }
0xb: {  	[smem:$0x3FA4] =	sst s3  }
0xc: {  	[smem:$0x3FA5] =	sst s4  }
0xd: {  	[smem:$0x3FA6] =	sst s5  }
0xe: {  	[smem:$0x3FA7] =	sst s6  }
0xf: {  	[smem:$0x3FA8] =	sst s7  }
0x10: {  	[smem:$0x3FA9] =	sst s8  }
0x11: {  	[smem:$0x3FAA] =	sst s9;
	s0 =	simm.s32 @!p0 $0x0  }
0x12: {  	s1 =	sld [smem:$0x3F90];
	s0 =	simm.s32 @p0 $0x1  }
0x13: {  	[smem:$0x3FAB] =	sst s0;
	s0 =	simm.s32 @!p1 $0x0  }
0x14: {  	s2 =	sld [smem:$0x3F8F];
	s0 =	simm.s32 @p1 $0x1  }
0x15: {  	[smem:$0x3FAC] =	sst s0;
	s0 =	simm.s32 @!p2 $0x0  }
0x16: {  	s3 =	sld [smem:$0x3FDB];
	s0 =	simm.s32 @p2 $0x1  }
0x17: {  	s4 =	simm.s32 $0x1BF5;
	[smem:$0x3FAE] =	sst s0  }
0x18: {  	s0 =	sld [smem:$0x3F91];
	_ =	swait.ge [sflag:s4], $0x0  }
0x19: {  	s7 =	sld [smem:$0x3F92]  }
0x1a: {  	s8 =	sadd.s32 $0xFFFFE003, lr  }
0x1b: {  	s9 =	sadd.s32 $0xFFFFFEF7, lr;
	s5 =	simm.s32 $0xFFFFFFFF;
	p2 =	slt.u32 s8, $0xFFFFF086  }
0x1c: {  	p1 =	slt.u32 s9, $0xF7A;
	s5 =	simm.s32 @!p2 $0x0  }
0x1d: {  	s5 =	simm.s32 @p1 $0x1;
	p0 =	seq.s32 s7, s2  }
0x1e: {  	s7 =	smul.u32 @!p0 $0xF7A, s2;
	p2 =	seq.s32 @!p0 s5, $0x0  }
0x1f: {  	s9 =	smul.u32 $0xF7A, s1;
	s8 =	simm.s32 @!p0 $0x1BF5;
	p2 =	por !p2, p0  }
0x20: {  	[sflag:s8] =	ssyncset.s32 @!p0 $0xFFFFF086;
	s6 =	sadd.s32 @!p0 s3, s7;
	s7 =	simm.s32 @!p0 $0x108  }
0x21: {  	s3 =	sadd.s32 s3, s9;
	s6 =	sadd.s32 @!p0 $0x88, s6;
	s7 =	simm.s32 @p2 $0x1082  }
0x22: {  	[simem:s7], [sflag:s8] =	dma.local @!p0 [hbm:s6], $0xF7A  }
0x23: {  	s9 =	sor.u32 $0xD0000000, s2;
	s6 =	simm.s32 $0x108;
	_ =	swait.ge @!p0 [sflag:s8], $0x0  }
0x24: {  	s3 =	sadd.s32 $0x88, s3;
	s6 =	simm.s32 @!p1 $0x1082;
	[sflag:s4] =	ssyncset.s32 $0xFFFFF086  }
0x25: {  	[simem:s6], [sflag:s4] =	dma.local [hbm:s3], $0xF7A  }
0x26: {  	[smem:$0x3F92] =	sst s1;
	(tag) =	ssettag s2;
	_ =	strace s9  }
0x27: {  	s1 =	sld [smem:$0x3FA2]  }
0x28: {  	s2 =	sld [smem:$0x3FA3]  }
0x29: {  	s4 =	sld [smem:$0x3FA5]  }
0x2a: {  	p0 =	seq.s32 s5, $0x0;
	s5 =	sld [smem:$0x3FA6]  }
0x2b: {  	s6 =	sld [smem:$0x3FA7]  }
0x2c: {  	s7 =	sld [smem:$0x3FA8]  }
0x2d: {  	s3 =	simm.s32 $0x108;
	s8 =	sld [smem:$0x3FA9]  }
0x2e: {  	s3 =	simm.s32 @!p0 $0x1082;
	s9 =	sld [smem:$0x3FAA]  }
0x2f: {  	lr =	sadd.s32 s0, s3;
	s0 =	sld [smem:$0x3FA1]  }
0x30: {  	s3 =	sld [smem:$0x3FA4]  }
0x31: {  	[smem:$0x3FAD] =	sst s10  }
0x32: {  	s10 =	sld [smem:$0x3FAB];
	_ =	sdelay $0x3  }
0x33: {  	p0 =	seq.s32 s10, $0x1;
	s10 =	sld [smem:$0x3FAD];
	_ =	sdelay $0x3  }
0x34: {  	[smem:$0x3FAD] =	sst s10  }
0x35: {  	s10 =	sld [smem:$0x3FAC];
	_ =	sdelay $0x3  }
0x36: {  	p1 =	seq.s32 s10, $0x1;
	s10 =	sld [smem:$0x3FAD];
	_ =	sdelay $0x3  }
0x37: {  	[smem:$0x3FAD] =	sst s10  }
0x38: {  	s10 =	sld [smem:$0x3FAE]  }
0x39: {  	_ = 	snop;
	(pc) =	sbr.ind lr, $3  }
0x3a: {  	_ = 	snop  }
0x3b: {  	_ = 	snop  }
0x3c: {  	p2 =	seq.s32 s10, $0x1;
	s10 =	sld [smem:$0x3FAD]  }
0x3d: {  	_ =	shalt  }
0x3e: {  	_ =	shalt  }
0x3f: {  	_ =	shalt  }
0x40: {  	_ =	shalt  }
0x41: {  	_ =	shalt  }
0x42: {  	_ =	shalt  }
0x43: {  	_ =	shalt  }
0x44: {  	_ =	shalt  }
0x45: {  	_ =	shalt  }
0x46: {  	_ =	shalt  }
0x47: {  	_ =	shalt  }
0x48: {  	_ =	shalt  }
0x49: {  	_ =	shalt  }
0x4a: {  	_ =	shalt  }
0x4b: {  	_ =	shalt  }
0x4c: {  	_ =	shalt  }
0x4d: {  	_ =	shalt  }
0x4e: {  	_ =	shalt  }
0x4f: {  	_ =	shalt  }
0x50: {  	_ =	shalt  }
0x51: {  	_ =	shalt  }
0x52: {  	_ =	shalt  }
0x53: {  	_ =	shalt  }
0x54: {  	_ =	shalt  }
0x55: {  	_ =	shalt  }
0x56: {  	_ =	shalt  }
0x57: {  	_ =	shalt  }
0x58: {  	_ =	shalt  }
0x59: {  	_ =	shalt  }
0x5a: {  	_ =	shalt  }
0x5b: {  	_ =	shalt  }
0x5c: {  	_ =	shalt  }
0x5d: {  	_ =	shalt  }
0x5e: {  	_ =	shalt  }
0x5f: {  	_ =	shalt  }
0x60: {  	_ =	shalt  }
0x61: {  	_ =	shalt  }
0x62: {  	_ =	shalt  }
0x63: {  	_ =	shalt  }
0x64: {  	_ =	shalt  }
0x65: {  	_ =	shalt  }
0x66: {  	_ =	shalt  }
0x67: {  	_ =	shalt  }
0x68: {  	_ =	shalt  }
0x69: {  	_ =	shalt  }
0x6a: {  	_ =	shalt  }
0x6b: {  	_ =	shalt  }
0x6c: {  	_ =	shalt  }
0x6d: {  	_ =	shalt  }
0x6e: {  	_ =	shalt  }
0x6f: {  	_ =	shalt  }
0x70: {  	_ =	shalt  }
0x71: {  	_ =	shalt  }
0x72: {  	_ =	shalt  }
0x73: {  	_ =	shalt  }
0x74: {  	_ =	shalt  }
0x75: {  	_ =	shalt  }
0x76: {  	_ =	shalt  }
0x77: {  	_ =	shalt  }
0x78: {  	_ =	shalt  }
0x79: {  	_ =	shalt  }
0x7a: {  	_ =	shalt  }
0x7b: {  	_ =	shalt  }
0x7c: {  	_ =	shalt  }
0x7d: {  	_ =	shalt  }
0x7e: {  	_ =	shalt  }
0x7f: {  	_ =	shalt  }
0x80: {  	_ =	shalt  }
0x81: {  	_ =	shalt  }
0x82: {  	_ =	shalt  }
0x83: {  	_ =	shalt  }
0x84: {  	_ =	shalt  }
0x85: {  	_ =	shalt  }
0x86: {  	_ =	shalt  }
0x87: {  	_ =	shalt  }
.Lfunc_end0:
.L_simem_size_0:
called_computation_lowered:
.L_overlay_start_0:
0x88: {  	s2 =	sld [smem:$0x3FD9]  }
0x89: {  	s3 =	sld [smem:$0x3FFE];
	_ =	sdelay $0x1  }
0x8a: {  	s1 =	srdreg.scid  }
0x8b: {  	s0 =	sand.u32 $0x1, s1  }
0x8c: {  	s17 =	sshll.u32 s0, $0xA;
	s2 =	sadd.s32 s3, s2  }
0x8d: {  	s2 =	sadd.s32 s2, s17  }
0x8e: {  	[smem:$0x3FB9] =	sst s2  }
0x8f: {  	_ = 	snop  }
0x90: {  	s2 =	sld [smem:$0x3FC5]  }
0x91: {  	s18 =	sld [smem:$0x3FD0];
	(tm) =	ssettm $0x1  }
0x92: {  	s4 =	sld [smem:$0x3FFB];
	_ =	sdelay $0x3  }
0x93: {  	_ =	strace s4  }
0x94: {  	s4 =	sld [smem:$0x3FFC];
	_ =	sdelay $0x3  }
0x95: {  	_ =	strace s4  }
0x96: {  	s4 =	sld [smem:$0x3FFD];
	_ =	sdelay $0x3  }
0x97: {  	_ =	strace s4  }
0x98: {  	_ =	strace $0x8FFFFFFF  }
0x99: {  	s19 =	sld [smem:$0x3FDB];
	_ =	sdelay $0x1  }
0x9a: {  	s5 =	simm.s32 $_scs_section_size  }
0x9b: {  	s6 =	simm.s32 $_size__tile_overlayer_lowered;
	s7 =	simm.s32 $_tile_overlayer_lowered  }
0x9c: {  	s22 =	simm.s32 $0x1BFF;
	s21 =	sshll.u32 s7, $0x1;
	s4 =	sadd.s32 s5, s19  }
0x9d: {  	s8 =	simm.s32 $0x0;
	s20 =	sshll.u32 s6, $0x1;
	s6 =	sadd.s32 s21, s4  }
0x9e: {  	[timem:s8], [sflag:s22] =	dma.local [hbm:s6], s20  }
0x9f: {  	_ =	swait.ge [sflag:s22], s20  }
0xa0: {  	s5 =	ssub.s32 $0x0, s20;
	[sflag:s22] =	ssyncset.done $0x0  }
0xa1: {  	[sflag:s22] =	ssyncadd.s32 s5;
	_ =	sdelay $0x1  }
0xa2: {  	s23 =	simm.s32 $0x1B8B  }
0xa3: {  	_ =	swait.ge [sflag:s23], $0x1  }
0xa4: {  	[sflag:s23] =	ssyncset.done $0x0  }
0xa5: {  	s25 =	simm.s32 $0x1B8E;
	s24 =	sld [smem:$0x3FFE];
	[sflag:s23] =	ssyncadd.s32 $0xFFFFFFFF  }
0xa6: {  	s26 =	simm.s32 $execute0_lowered;
	[smem:$0x3FD2] =	sst s25  }
0xa7: {  	s6 =	sshll.u32 s26, $0x1;
	_ =	strace $0x80000046;
	[dreg:$0x1] =	wrdreg $0xFFFFFFFF  }
0xa8: {  	s28 =	simm.s32 $_size_execute0_lowered;
	s4 =	sadd.s32 s4, s6;
	[dreg:$0x0] =	wrdreg $0x0  }
0xa9: {  	s6 =	sshll.u32 s28, $0x1;
	[dreg:$0x2] =	wrdreg s4  }
0xaa: {  	[dreg:$0x3] =	wrdreg s6  }
0xab: {  	[dreg:$0x4] =	wrdreg $0xC0  }
0xac: {  	_ =	task [dreg:s8], $0x5FFFF  }
0xad: {  	[dreg:$0x1] =	wrdreg $0xFFFFFFFF  }
0xae: {  	[dreg:$0x0] =	wrdreg $0x60  }
0xaf: {  	[dreg:$0x2] =	wrdreg s2  }
0xb0: {  	[dreg:$0x3] =	wrdreg s18  }
0xb1: {  	[dreg:$0x4] =	wrdreg s24  }
0xb2: {  	[dreg:$0x5] =	wrdreg $0x9  }
0xb3: {  	_ =	task.clear_ibuf [dreg:s8], $0x6FFFF;
	_ =	strace $0x90000046  }
0xb4: {  	s29 =	simm.s32 $0x9;
	_ =	strace $0x80000048  }
0xb5: {  	_ =	swait.ge [sflag:s29], $0x1  }
0xb6: {  	[sflag:s29] =	ssyncadd.s32 $0xFFFFFFFF  }
0xb7: {  	_ =	strace $0x90000048  }
0xb8: {  	_ =	sfence  }
0xb9: {  	s30 =	sld [smem:$0x0];
	_ =	sdelay $0x2  }
0xba: {  	s31 =	sshll.u32 s1, $0xD;
	s1 =	sshrl.u32 s1, $0x2  }
0xbb: {  	s3 =	sand.u32 $0x4000, s31;
	s1 =	sadd.s32 s1, s30  }
0xbc: {  	s0 =	sor.u32 s3, s0;
	s1 =	sshll.u32 s1, $0x11  }
0xbd: {  	s0 =	sor.u32 s1, s0  }
0xbe: {  	s0 =	sadd.s32 $0x8F2B, s0  }
0xbf: {  	[sflag:s0] =	ssyncadd.remote.s32 $0x1  }
0xc0: {  	_ =	sfence.sel $0xFFFF  }
0xc1: {  	[dreg:$0x0] =	wrdreg $0xFFFFFFFF;
	(pc) =	sbr.abs _section_cstart, $3  }
0xc2: {  	[dreg:$0x1] =	wrdreg $0xFFFFFFFF  }
0xc3: {  	_ =	task.clear_ibuf [dreg:s8], $0x2FFFF;
	_ =	strace $0x9FFFFFFF  }
0xc4: {  	(tm) =	ssettm $0x7FFFFFFF  }
0xc5: {  	_ =	shalt  }
tec
execute0_lowered:
.L_overlay_start_1:
0x0: {  	(tag) =	ssettag $0x1  }
0x1: {  	s0 =	srdreg.scid  }
0x2: {  	s2 =	rddreg [dreg:$0x0];
	s6 =	sand.u32 $0x1, s0  }
0x3: {  	s4 =	rddreg [dreg:$0x1];
	s0 =	stileid.u32;
	s1 =	sshll.u32 s6, $0x4  }
0x4: {  	s9 =	rddreg [dreg:$0x2];
	s3 =	simm.s32 $0x0;
	s7 =	sor.u32 s0, s1  }
0x5: {  	s8 =	simm.s32 $0x1;
	[smem:$0x7FF] =	sst s3;
	s5 =	smul.u32 $0x28, s7  }
0x6: {  	s11 =	ssub.s32 $0x2, s6;
	s6 =	simm.s32 $0x140;
	s1 =	rddreg [dreg:$0x3]  }
0x7: {  	_ =	strace $0x80000047;
	s5 =	sadd.s32 s4, s5;
	s4 =	simm.s32 $0x2  }
0x8: {  	[tilespmem:s3], [sflag:$0x2] =	stream.linear.gather [hbm4b:s5+s3], $0x140, $0x38;
	[tilespmem:$0xA180] =	vst v63  }
0x9: {  	s12 =	sshrl.u32 s11, $0x1;
	s10 =	smul.u32 $0x1400, s7;
	_ =	swait.ge [sflag:s4], $0x140  }
0xa: {  	s7 =	simm.s32 $0x180;
	s31 =	ssub.s32 s11, s12;
	[sflag:s4] =	ssyncset.done $0x0  }
0xb: {  	s9 =	sadd.s32 s10, s9;
	s10 =	smax.u32 s31, $0x1;
	[sflag:s4] =	ssyncadd.s32 $0xFFFFFEC0  }
0xc: {  	[tilespmem:s7], [sflag:$0x1] =	stream.indirect.gather [hbm4b:s2+s6], $0x80, s3, s6, $0xb8;
	[tilespmem:$0xA180] =	vst v63  }
0xd: {  	p0 =	sne.s32 s10, $0x1;
	_ =	swait.ge [sflag:s8], $0xA000  }
.Ltmp0:
0xe: {  	[sflag:s8] =	ssyncset.done $0x0;
	(pc) =	sbr.rel @!p0 .LBB2_2-.Ltmp0, $4  }
0xf: {  	s9 =	sadd.s32 $0x1800, s9;
	[sflag:s8] =	ssyncadd.s32 $0xFFFF6000  }
0x10: {  	[hbm4b:s9+s3] =	stream.linear.scatter [tilespmem:s7], [sflag:$0x2], $0xA000, $0x38;
	[tilespmem:$0xA180] =	vst v63  }
0x11: {  	_ =	swait.ge [sflag:s4], $0xA000  }
0x12: {  	s10 =	sadd.s32 $0xFFFFFFFF, s10;
	[sflag:s4] =	ssyncset.done $0x0  }
.LBB2_1:
0x13: {  	p0 =	sne.s32 s10, $0x1;
	s10 =	sadd.s32 $0xFFFFFFFF, s10;
	[sflag:s4] =	ssyncadd.s32 $0xFFFF6000  }
0x14: {  	[tilespmem:s3], [sflag:$0x2] =	stream.linear.gather [hbm4b:s5+s3], $0x140, $0x38;
	[tilespmem:$0xA180] =	vst v63  }
0x15: {  	_ =	swait.ge [sflag:s4], $0x140  }
0x16: {  	[sflag:s4] =	ssyncset.done $0x0  }
0x17: {  	[sflag:s4] =	ssyncadd.s32 $0xFFFFFEC0  }
0x18: {  	[tilespmem:s7], [sflag:$0x1] =	stream.indirect.gather [hbm4b:s2+s6], $0x80, s3, s6, $0xb8;
	[tilespmem:$0xA180] =	vst v63  }
0x19: {  	_ =	swait.ge [sflag:s8], $0xA000  }
.Ltmp1:
0x1a: {  	[sflag:s8] =	ssyncset.done $0x0;
	(pc) =	sbr.rel @p0 .LBB2_1-.Ltmp1, $4  }
0x1b: {  	[sflag:s8] =	ssyncadd.s32 $0xFFFF6000  }
0x1c: {  	[hbm4b:s9+s3] =	stream.linear.scatter [tilespmem:s7], [sflag:$0x2], $0xA000, $0x38;
	[tilespmem:$0xA180] =	vst v63  }
0x1d: {  	_ =	swait.ge [sflag:s4], $0xA000  }
0x1e: {  	[sflag:s4] =	ssyncset.done $0x0  }
.LBB2_2:
0x1f: {  	[sflag:s4] =	ssyncadd.s32 $0xFFFF6000  }
0x20: {  	_ =	sfence.sel $0x180000  }
0x21: {  	[bflag:$0x0] =	sbarrier.arrive $0xFFFF  }
0x22: {  	p0 =	sne.s32 s0, $0x0;
	_ =	strace $0x90000047  }
0x23: {  	s0 =	sadd.s32 @!p0 $0x100000, s1;
	[bflag:$0x2] =	sbarrier.arrive $0xFFFF  }
0x24: {  	[sflag:s0] =	ssyncadd.tile.s32 @!p0 $0x1;
	_ =	shalt  }
.Lfunc_end2:
_tile_overlayer_lowered:
.L_overlay_start_2:
0x25: {  	(tag) =	ssettag $0x2  }
0x26: {  	s0 =	rddreg [dreg:$0x0];
	s2 =	stileid.u32  }
0x27: {  	s1 =	rddreg [dreg:$0x1];
	p0 =	sne.s32 s2, $0x0  }
0x28: {  	s3 =	rddreg [dreg:$0x2];
	[bflag:$0x3] =	sbarrier.arrive $0xFFFF;
	s2 =	simm.s32 @!p0 $0x1C02  }
0x29: {  	[timem:s3], [sflag:s2] =	dma.local @!p0 [hbm:s0], s1  }
0x2a: {  	s0 =	simm.s32 @!p0 $0x2  }
0x2b: {  	_ =	swait.ge @!p0 [sflag:s0], s1  }
0x2c: {  	s1 =	ssub.s32 @!p0 $0x0, s1;
	[sflag:s0] =	ssyncset.done @!p0 $0x0  }
0x2d: {  	[sflag:s0] =	ssyncadd.s32 @!p0 s1  }
0x2e: {  	[bflag:$0x3] =	sbarrier.arrive $0xFFFF  }
0x2f: {  	_ =	shalt  }

</sc_bundles>
